<compile_context>
chip_gen: v7x
topology: tpu7x:2x2x1
jax: 0.10.2.dev20260603
libtpu: 0.0.44.dev20260713+nightly
codegen_flags: <defaults>
</compile_context>

<pallas_src>
import functools

import jax
import jax.numpy as jnp
from jax import lax
from jax.experimental import pallas as pl
from jax.experimental.pallas import tpu as pltpu, tpu_sc as plsc

NC, NS = 2, 16
NW = NC * NS


def _make_gather(V, D, B0, S):
    assert B0 % NW == 0 and D % 16 == 0 and S % 2 == 0
    n_per_w = B0 // NW
    P = S // 2

    mesh = plsc.VectorSubcoreMesh(core_axis_name="c", subcore_axis_name="s")

    @functools.partial(
        pl.kernel,
        out_type=jax.ShapeDtypeStruct((S, B0, D), jnp.float32),
        mesh=mesh,
        scratch_types=[
            pltpu.VMEM((S, n_per_w), jnp.int32),
            pltpu.VMEM((2, n_per_w, D), jnp.float32),
            pltpu.VMEM((2, n_per_w, D), jnp.float32),
            pltpu.VMEM((2, n_per_w, D), jnp.float32),
            pltpu.SemaphoreType.DMA,
            pltpu.SemaphoreType.DMA,
        ],
    )
    def gather(table_hbm, tok_hbm, out_hbm, idx_v, buf0, buf1, buf2,
               sem_g, sem_s):
        bufs = (buf0, buf1, buf2)
        wid = lax.axis_index("s") * NC + lax.axis_index("c")
        col = wid * n_per_w
        pltpu.sync_copy(tok_hbm.at[:, pl.ds(col, n_per_w)], idx_v)

        def fire_gathers(p, buf):
            pltpu.async_copy(table_hbm.at[idx_v.at[2 * p]], buf.at[0],
                             sem_g)
            pltpu.async_copy(table_hbm.at[idx_v.at[2 * p + 1]], buf.at[1],
                             sem_g)

        def wait_gathers(buf):
            for h in range(2):
                pltpu.make_async_copy(table_hbm.at[idx_v.at[0]],
                                      buf.at[h], sem_g).wait()

        def fire_scatter(p, buf):
            pltpu.async_copy(buf, out_hbm.at[pl.ds(2 * p, 2),
                                             pl.ds(col, n_per_w)], sem_s)

        def wait_scatter(buf):
            pltpu.make_async_copy(buf, out_hbm.at[pl.ds(0, 2),
                                                  pl.ds(col, n_per_w)],
                                  sem_s).wait()

        NB = 3
        K = 2

        def step(p, b, wait_s, fire_n):
            wait_gathers(bufs[b])
            fire_scatter(p, bufs[b])
            if fire_n:
                if wait_s:
                    wait_scatter(bufs[(b + K) % NB])
                fire_gathers(p + K, bufs[(b + K) % NB])

        for j in range(K):
            fire_gathers(j, bufs[j])

        for p in range(NB):
            step(p, p % NB, p >= NB - K, True)

        @pl.loop(1, (P - 7) // NB + 1)
        def _(g):
            p0 = NB * g
            for b in range(NB):
                step(p0 + b, b, True, True)

        for p in range(P - 4, P):
            step(p, p % NB, p + K < P, p + K < P)

        for b in range(NB):
            wait_scatter(bufs[b])

    return gather


def kernel(tokens, table):
    B0, S = tokens.shape
    V, D = table.shape
    tok_t = jnp.transpose(tokens.astype(jnp.int32))
    out_t = _make_gather(V, D, B0, S)(table, tok_t)
    return jnp.transpose(out_t, (1, 0, 2))

# --- scband reference (transcript-rebuilt; emitter-appended) ---
"""Pipeline reference for scband-analyte-transformer-57080115364880 (READ-ONLY COPY).

The authoritative reference and input builder live on the scoring server;
editing this copy changes nothing except your own understanding.
"""

import jax, jax.numpy as jnp
import numpy as np

N_TOKENS = 100000
D_MODEL = 128
PADDING_INT = 0

def setup_inputs(seed: int = 0) -> dict:
    key = jax.random.key(seed)
    k_tok, k_tab = jax.random.split(key)
    tokens = jax.random.randint(k_tok, (4096, 50), 0, N_TOKENS, dtype=jnp.int64)
    # Embedding table: (n_tokens + 1, d_model) with padding row zeroed
    # (matches torch.nn.Embedding(padding_idx=PADDING_INT) init behavior).
    table = jax.random.normal(k_tab, (N_TOKENS + 1, D_MODEL), dtype=jnp.float32)
    table = table.at[PADDING_INT].set(0.0)
    return {"tokens": tokens, "table": table}

def reference(tokens, table):
    # token_encoder(tokens): embedding lookup with padding_idx semantics
    emb = jnp.take(table, tokens, axis=0)
    emb = jnp.where((tokens == PADDING_INT)[..., None], 0.0, emb)
    # positional_encoder=False -> torch.nn.Identity()
    return emb

if __name__ == "__main__":
    import jax
    _d = setup_inputs()
    print(jax.jit(kernel)(*tuple(_d.values())))

</pallas_src>

<mosaic_0001>
#map = affine_map<(d0, d1) -> (0, 0)>
#map1 = affine_map<(d0, d1) -> (0, 0, 0)>
module attributes {stable_mosaic.version = 14 : i64} {
  func.func @gather(%arg0: i32, %arg1: i32, %arg2: memref<100001x128xf32, #tpu.memory_space<hbm>>, %arg3: memref<50x4096xi32, #tpu.memory_space<hbm>>, %arg4: memref<50x4096x128xf32, #tpu.memory_space<hbm>>, %arg5: memref<50x128xi32, #tpu.memory_space<vmem>>, %arg6: memref<2x128x128xf32, #tpu.memory_space<vmem>>, %arg7: memref<2x128x128xf32, #tpu.memory_space<vmem>>, %arg8: memref<2x128x128xf32, #tpu.memory_space<vmem>>, %arg9: memref<!tpu.dma_semaphore, #tpu.memory_space<semaphore_mem>>, %arg10: memref<!tpu.dma_semaphore, #tpu.memory_space<semaphore_mem>>) attributes {dimension_semantics = [#tpu.dimension_semantics<core_parallel>, #tpu.dimension_semantics<subcore_parallel>], iteration_bounds = array<i64: 2, 16>, scalar_prefetch = 0 : i64, scratch_operands = 6 : i64, tpu.core_type = #tpu.core_type<sc_vector_subcore>, window_params = [{transform_indices = #map}, {transform_indices = #map}, {transform_indices = #map1}]} {
    %mul3A = arith.constant 2 : i32
    %mul3A_0 = arith.muli %arg1, %mul3A : i32
    %add3A = arith.addi %mul3A_0, %arg0 : i32
    %mul3A_1 = arith.constant 128 : i32
    %mul3A_2 = arith.muli %add3A, %mul3A_1 : i32
    "tpu.region"() ({
      %run_scoped3A = tpu.sem_alloc : memref<!tpu.dma_semaphore, #tpu.memory_space<semaphore_mem>>
      %dma_start3A_425 = arith.constant 0 : i32
      %dma_start3A_426 = tpu.memref_slice %arg3[%dma_start3A_425, %mul3A_2] : memref<50x4096xi32, #tpu.memory_space<hbm>> -> memref<50x128xi32, #tpu.memory_space<hbm>>
      %dma_start3A_427 = arith.constant 0 : i32
      %dma_start3A_428 = tpu.memref_slice %arg3[%dma_start3A_427, %mul3A_2] : memref<50x4096xi32, #tpu.memory_space<hbm>> -> memref<50x128xi32, #tpu.memory_space<hbm>>
      tpu.enqueue_dma source(%dma_start3A_428 : memref<50x128xi32, #tpu.memory_space<hbm>>) target(%arg5 : memref<50x128xi32, #tpu.memory_space<vmem>>) target_semaphore(%run_scoped3A : memref<!tpu.dma_semaphore, #tpu.memory_space<semaphore_mem>>)
      %dma_wait3A_429 = arith.constant 0 : i32
      %dma_wait3A_430 = tpu.memref_slice %arg3[%dma_wait3A_429, %mul3A_2] : memref<50x4096xi32, #tpu.memory_space<hbm>> -> memref<50x128xi32, #tpu.memory_space<hbm>>
      %dma_wait3A_431 = arith.constant 0 : i32
      %dma_wait3A_432 = tpu.memref_slice %arg3[%dma_wait3A_431, %mul3A_2] : memref<50x4096xi32, #tpu.memory_space<hbm>> -> memref<50x128xi32, #tpu.memory_space<hbm>>
      tpu.wait_dma2 semaphore(%run_scoped3A : memref<!tpu.dma_semaphore, #tpu.memory_space<semaphore_mem>>) src(%dma_wait3A_432 : memref<50x128xi32, #tpu.memory_space<hbm>>) dst(%arg5 : memref<50x128xi32, #tpu.memory_space<vmem>>)
      tpu.yield
    }) : () -> ()
    %dma_start3A = arith.constant 0 : i32
    %dma_start3A_3 = arith.constant 0 : i32
    %dma_start3A_4 = arith.constant 0 : i32
    %dma_start3A_5 = arith.constant 0 : i32
    %dma_start3A_6 = tpu.memref_slice %arg6[%dma_start3A_3, %dma_start3A_4, %dma_start3A_5] : memref<2x128x128xf32, #tpu.memory_space<vmem>> -> memref<1x128x128xf32, #tpu.memory_space<vmem>>
    %dma_start3A_7 = tpu.memref_squeeze %dma_start3A_6 : memref<1x128x128xf32, #tpu.memory_space<vmem>> -> memref<128x128xf32, #tpu.memory_space<vmem>>
    %dma_start3A_8 = arith.constant 0 : i32
    %dma_start3A_9 = tpu.memref_slice %arg5[%dma_start3A, %dma_start3A_8] : memref<50x128xi32, #tpu.memory_space<vmem>> -> memref<1x128xi32, #tpu.memory_space<vmem>>
    %dma_start3A_10 = tpu.memref_squeeze %dma_start3A_9 : memref<1x128xi32, #tpu.memory_space<vmem>> -> memref<128xi32, #tpu.memory_space<vmem>>
    %dma_start3A_11 = arith.constant 0 : i32
    %dma_start3A_12 = arith.constant 0 : i32
    %dma_start3A_13 = tpu.memref_slice %arg2[%dma_start3A_11, %dma_start3A_12] : memref<100001x128xf32, #tpu.memory_space<hbm>> -> memref<100001x128xf32, #tpu.memory_space<hbm>>
    tpu.enqueue_indirect_dma source(%dma_start3A_13 : memref<100001x128xf32, #tpu.memory_space<hbm>>) target(%dma_start3A_7 : memref<128x128xf32, #tpu.memory_space<vmem>>) offsets(%dma_start3A_10 : memref<128xi32, #tpu.memory_space<vmem>>) semaphore(%arg9 : memref<!tpu.dma_semaphore, #tpu.memory_space<semaphore_mem>>)
    %dma_start3A_14 = arith.constant 1 : i32
    %dma_start3A_15 = arith.constant 1 : i32
    %dma_start3A_16 = arith.constant 0 : i32
    %dma_start3A_17 = arith.constant 0 : i32
    %dma_start3A_18 = tpu.memref_slice %arg6[%dma_start3A_15, %dma_start3A_16, %dma_start3A_17] : memref<2x128x128xf32, #tpu.memory_space<vmem>> -> memref<1x128x128xf32, #tpu.memory_space<vmem>>
    %dma_start3A_19 = tpu.memref_squeeze %dma_start3A_18 : memref<1x128x128xf32, #tpu.memory_space<vmem>> -> memref<128x128xf32, #tpu.memory_space<vmem>>
    %dma_start3A_20 = arith.constant 0 : i32
    %dma_start3A_21 = tpu.memref_slice %arg5[%dma_start3A_14, %dma_start3A_20] : memref<50x128xi32, #tpu.memory_space<vmem>> -> memref<1x128xi32, #tpu.memory_space<vmem>>
    %dma_start3A_22 = tpu.memref_squeeze %dma_start3A_21 : memref<1x128xi32, #tpu.memory_space<vmem>> -> memref<128xi32, #tpu.memory_space<vmem>>
    %dma_start3A_23 = arith.constant 0 : i32
    %dma_start3A_24 = arith.constant 0 : i32
    %dma_start3A_25 = tpu.memref_slice %arg2[%dma_start3A_23, %dma_start3A_24] : memref<100001x128xf32, #tpu.memory_space<hbm>> -> memref<100001x128xf32, #tpu.memory_space<hbm>>
    tpu.enqueue_indirect_dma source(%dma_start3A_25 : memref<100001x128xf32, #tpu.memory_space<hbm>>) target(%dma_start3A_19 : memref<128x128xf32, #tpu.memory_space<vmem>>) offsets(%dma_start3A_22 : memref<128xi32, #tpu.memory_space<vmem>>) semaphore(%arg9 : memref<!tpu.dma_semaphore, #tpu.memory_space<semaphore_mem>>)
    %dma_start3A_26 = arith.constant 2 : i32
    %dma_start3A_27 = arith.constant 0 : i32
    %dma_start3A_28 = arith.constant 0 : i32
    %dma_start3A_29 = arith.constant 0 : i32
    %dma_start3A_30 = tpu.memref_slice %arg7[%dma_start3A_27, %dma_start3A_28, %dma_start3A_29] : memref<2x128x128xf32, #tpu.memory_space<vmem>> -> memref<1x128x128xf32, #tpu.memory_space<vmem>>
    %dma_start3A_31 = tpu.memref_squeeze %dma_start3A_30 : memref<1x128x128xf32, #tpu.memory_space<vmem>> -> memref<128x128xf32, #tpu.memory_space<vmem>>
    %dma_start3A_32 = arith.constant 0 : i32
    %dma_start3A_33 = tpu.memref_slice %arg5[%dma_start3A_26, %dma_start3A_32] : memref<50x128xi32, #tpu.memory_space<vmem>> -> memref<1x128xi32, #tpu.memory_space<vmem>>
    %dma_start3A_34 = tpu.memref_squeeze %dma_start3A_33 : memref<1x128xi32, #tpu.memory_space<vmem>> -> memref<128xi32, #tpu.memory_space<vmem>>
    %dma_start3A_35 = arith.constant 0 : i32
    %dma_start3A_36 = arith.constant 0 : i32
    %dma_start3A_37 = tpu.memref_slice %arg2[%dma_start3A_35, %dma_start3A_36] : memref<100001x128xf32, #tpu.memory_space<hbm>> -> memref<100001x128xf32, #tpu.memory_space<hbm>>
    tpu.enqueue_indirect_dma source(%dma_start3A_37 : memref<100001x128xf32, #tpu.memory_space<hbm>>) target(%dma_start3A_31 : memref<128x128xf32, #tpu.memory_space<vmem>>) offsets(%dma_start3A_34 : memref<128xi32, #tpu.memory_space<vmem>>) semaphore(%arg9 : memref<!tpu.dma_semaphore, #tpu.memory_space<semaphore_mem>>)
    %dma_start3A_38 = arith.constant 3 : i32
    %dma_start3A_39 = arith.constant 1 : i32
    %dma_start3A_40 = arith.constant 0 : i32
    %dma_start3A_41 = arith.constant 0 : i32
    %dma_start3A_42 = tpu.memref_slice %arg7[%dma_start3A_39, %dma_start3A_40, %dma_start3A_41] : memref<2x128x128xf32, #tpu.memory_space<vmem>> -> memref<1x128x128xf32, #tpu.memory_space<vmem>>
    %dma_start3A_43 = tpu.memref_squeeze %dma_start3A_42 : memref<1x128x128xf32, #tpu.memory_space<vmem>> -> memref<128x128xf32, #tpu.memory_space<vmem>>
    %dma_start3A_44 = arith.constant 0 : i32
    %dma_start3A_45 = tpu.memref_slice %arg5[%dma_start3A_38, %dma_start3A_44] : memref<50x128xi32, #tpu.memory_space<vmem>> -> memref<1x128xi32, #tpu.memory_space<vmem>>
    %dma_start3A_46 = tpu.memref_squeeze %dma_start3A_45 : memref<1x128xi32, #tpu.memory_space<vmem>> -> memref<128xi32, #tpu.memory_space<vmem>>
    %dma_start3A_47 = arith.constant 0 : i32
    %dma_start3A_48 = arith.constant 0 : i32
    %dma_start3A_49 = tpu.memref_slice %arg2[%dma_start3A_47, %dma_start3A_48] : memref<100001x128xf32, #tpu.memory_space<hbm>> -> memref<100001x128xf32, #tpu.memory_space<hbm>>
    tpu.enqueue_indirect_dma source(%dma_start3A_49 : memref<100001x128xf32, #tpu.memory_space<hbm>>) target(%dma_start3A_43 : memref<128x128xf32, #tpu.memory_space<vmem>>) offsets(%dma_start3A_46 : memref<128xi32, #tpu.memory_space<vmem>>) semaphore(%arg9 : memref<!tpu.dma_semaphore, #tpu.memory_space<semaphore_mem>>)
    %dma_wait3A = arith.constant 0 : i32
    %dma_wait3A_50 = arith.constant 0 : i32
    %dma_wait3A_51 = arith.constant 0 : i32
    %dma_wait3A_52 = arith.constant 0 : i32
    %dma_wait3A_53 = tpu.memref_slice %arg6[%dma_wait3A_50, %dma_wait3A_51, %dma_wait3A_52] : memref<2x128x128xf32, #tpu.memory_space<vmem>> -> memref<1x128x128xf32, #tpu.memory_space<vmem>>
    %dma_wait3A_54 = tpu.memref_squeeze %dma_wait3A_53 : memref<1x128x128xf32, #tpu.memory_space<vmem>> -> memref<128x128xf32, #tpu.memory_space<vmem>>
    %dma_wait3A_55 = arith.constant 0 : i32
    %dma_wait3A_56 = tpu.memref_slice %arg5[%dma_wait3A, %dma_wait3A_55] : memref<50x128xi32, #tpu.memory_space<vmem>> -> memref<1x128xi32, #tpu.memory_space<vmem>>
    %dma_wait3A_57 = tpu.memref_squeeze %dma_wait3A_56 : memref<1x128xi32, #tpu.memory_space<vmem>> -> memref<128xi32, #tpu.memory_space<vmem>>
    %dma_wait3A_58 = arith.constant 0 : i32
    %dma_wait3A_59 = arith.constant 0 : i32
    %dma_wait3A_60 = tpu.memref_slice %arg2[%dma_wait3A_58, %dma_wait3A_59] : memref<100001x128xf32, #tpu.memory_space<hbm>> -> memref<100001x128xf32, #tpu.memory_space<hbm>>
    tpu.wait_indirect_dma semaphore(%arg9 : memref<!tpu.dma_semaphore, #tpu.memory_space<semaphore_mem>>) src(%dma_wait3A_60 : memref<100001x128xf32, #tpu.memory_space<hbm>>) dst(%dma_wait3A_54 : memref<128x128xf32, #tpu.memory_space<vmem>>)
    %dma_wait3A_61 = arith.constant 0 : i32
    %dma_wait3A_62 = arith.constant 1 : i32
    %dma_wait3A_63 = arith.constant 0 : i32
    %dma_wait3A_64 = arith.constant 0 : i32
    %dma_wait3A_65 = tpu.memref_slice %arg6[%dma_wait3A_62, %dma_wait3A_63, %dma_wait3A_64] : memref<2x128x128xf32, #tpu.memory_space<vmem>> -> memref<1x128x128xf32, #tpu.memory_space<vmem>>
    %dma_wait3A_66 = tpu.memref_squeeze %dma_wait3A_65 : memref<1x128x128xf32, #tpu.memory_space<vmem>> -> memref<128x128xf32, #tpu.memory_space<vmem>>
    %dma_wait3A_67 = arith.constant 0 : i32
    %dma_wait3A_68 = tpu.memref_slice %arg5[%dma_wait3A_61, %dma_wait3A_67] : memref<50x128xi32, #tpu.memory_space<vmem>> -> memref<1x128xi32, #tpu.memory_space<vmem>>
    %dma_wait3A_69 = tpu.memref_squeeze %dma_wait3A_68 : memref<1x128xi32, #tpu.memory_space<vmem>> -> memref<128xi32, #tpu.memory_space<vmem>>
    %dma_wait3A_70 = arith.constant 0 : i32
    %dma_wait3A_71 = arith.constant 0 : i32
    %dma_wait3A_72 = tpu.memref_slice %arg2[%dma_wait3A_70, %dma_wait3A_71] : memref<100001x128xf32, #tpu.memory_space<hbm>> -> memref<100001x128xf32, #tpu.memory_space<hbm>>
    tpu.wait_indirect_dma semaphore(%arg9 : memref<!tpu.dma_semaphore, #tpu.memory_space<semaphore_mem>>) src(%dma_wait3A_72 : memref<100001x128xf32, #tpu.memory_space<hbm>>) dst(%dma_wait3A_66 : memref<128x128xf32, #tpu.memory_space<vmem>>)
    %dma_start3A_73 = arith.constant 0 : i32
    %dma_start3A_74 = arith.constant 0 : i32
    %dma_start3A_75 = tpu.memref_slice %arg4[%dma_start3A_73, %mul3A_2, %dma_start3A_74] : memref<50x4096x128xf32, #tpu.memory_space<hbm>> -> memref<2x128x128xf32, #tpu.memory_space<hbm>>
    %dma_start3A_76 = arith.constant 0 : i32
    %dma_start3A_77 = arith.constant 0 : i32
    %dma_start3A_78 = tpu.memref_slice %arg4[%dma_start3A_76, %mul3A_2, %dma_start3A_77] : memref<50x4096x128xf32, #tpu.memory_space<hbm>> -> memref<2x128x128xf32, #tpu.memory_space<hbm>>
    tpu.enqueue_dma source(%arg6 : memref<2x128x128xf32, #tpu.memory_space<vmem>>) target(%dma_start3A_78 : memref<2x128x128xf32, #tpu.memory_space<hbm>>) target_semaphore(%arg10 : memref<!tpu.dma_semaphore, #tpu.memory_space<semaphore_mem>>)
    %dma_start3A_79 = arith.constant 4 : i32
    %dma_start3A_80 = arith.constant 0 : i32
    %dma_start3A_81 = arith.constant 0 : i32
    %dma_start3A_82 = arith.constant 0 : i32
    %dma_start3A_83 = tpu.memref_slice %arg8[%dma_start3A_80, %dma_start3A_81, %dma_start3A_82] : memref<2x128x128xf32, #tpu.memory_space<vmem>> -> memref<1x128x128xf32, #tpu.memory_space<vmem>>
    %dma_start3A_84 = tpu.memref_squeeze %dma_start3A_83 : memref<1x128x128xf32, #tpu.memory_space<vmem>> -> memref<128x128xf32, #tpu.memory_space<vmem>>
    %dma_start3A_85 = arith.constant 0 : i32
    %dma_start3A_86 = tpu.memref_slice %arg5[%dma_start3A_79, %dma_start3A_85] : memref<50x128xi32, #tpu.memory_space<vmem>> -> memref<1x128xi32, #tpu.memory_space<vmem>>
    %dma_start3A_87 = tpu.memref_squeeze %dma_start3A_86 : memref<1x128xi32, #tpu.memory_space<vmem>> -> memref<128xi32, #tpu.memory_space<vmem>>
    %dma_start3A_88 = arith.constant 0 : i32
    %dma_start3A_89 = arith.constant 0 : i32
    %dma_start3A_90 = tpu.memref_slice %arg2[%dma_start3A_88, %dma_start3A_89] : memref<100001x128xf32, #tpu.memory_space<hbm>> -> memref<100001x128xf32, #tpu.memory_space<hbm>>
    tpu.enqueue_indirect_dma source(%dma_start3A_90 : memref<100001x128xf32, #tpu.memory_space<hbm>>) target(%dma_start3A_84 : memref<128x128xf32, #tpu.memory_space<vmem>>) offsets(%dma_start3A_87 : memref<128xi32, #tpu.memory_space<vmem>>) semaphore(%arg9 : memref<!tpu.dma_semaphore, #tpu.memory_space<semaphore_mem>>)
    %dma_start3A_91 = arith.constant 5 : i32
    %dma_start3A_92 = arith.constant 1 : i32
    %dma_start3A_93 = arith.constant 0 : i32
    %dma_start3A_94 = arith.constant 0 : i32
    %dma_start3A_95 = tpu.memref_slice %arg8[%dma_start3A_92, %dma_start3A_93, %dma_start3A_94] : memref<2x128x128xf32, #tpu.memory_space<vmem>> -> memref<1x128x128xf32, #tpu.memory_space<vmem>>
    %dma_start3A_96 = tpu.memref_squeeze %dma_start3A_95 : memref<1x128x128xf32, #tpu.memory_space<vmem>> -> memref<128x128xf32, #tpu.memory_space<vmem>>
    %dma_start3A_97 = arith.constant 0 : i32
    %dma_start3A_98 = tpu.memref_slice %arg5[%dma_start3A_91, %dma_start3A_97] : memref<50x128xi32, #tpu.memory_space<vmem>> -> memref<1x128xi32, #tpu.memory_space<vmem>>
    %dma_start3A_99 = tpu.memref_squeeze %dma_start3A_98 : memref<1x128xi32, #tpu.memory_space<vmem>> -> memref<128xi32, #tpu.memory_space<vmem>>
    %dma_start3A_100 = arith.constant 0 : i32
    %dma_start3A_101 = arith.constant 0 : i32
    %dma_start3A_102 = tpu.memref_slice %arg2[%dma_start3A_100, %dma_start3A_101] : memref<100001x128xf32, #tpu.memory_space<hbm>> -> memref<100001x128xf32, #tpu.memory_space<hbm>>
    tpu.enqueue_indirect_dma source(%dma_start3A_102 : memref<100001x128xf32, #tpu.memory_space<hbm>>) target(%dma_start3A_96 : memref<128x128xf32, #tpu.memory_space<vmem>>) offsets(%dma_start3A_99 : memref<128xi32, #tpu.memory_space<vmem>>) semaphore(%arg9 : memref<!tpu.dma_semaphore, #tpu.memory_space<semaphore_mem>>)
    %dma_wait3A_103 = arith.constant 0 : i32
    %dma_wait3A_104 = arith.constant 0 : i32
    %dma_wait3A_105 = arith.constant 0 : i32
    %dma_wait3A_106 = arith.constant 0 : i32
    %dma_wait3A_107 = tpu.memref_slice %arg7[%dma_wait3A_104, %dma_wait3A_105, %dma_wait3A_106] : memref<2x128x128xf32, #tpu.memory_space<vmem>> -> memref<1x128x128xf32, #tpu.memory_space<vmem>>
    %dma_wait3A_108 = tpu.memref_squeeze %dma_wait3A_107 : memref<1x128x128xf32, #tpu.memory_space<vmem>> -> memref<128x128xf32, #tpu.memory_space<vmem>>
    %dma_wait3A_109 = arith.constant 0 : i32
    %dma_wait3A_110 = tpu.memref_slice %arg5[%dma_wait3A_103, %dma_wait3A_109] : memref<50x128xi32, #tpu.memory_space<vmem>> -> memref<1x128xi32, #tpu.memory_space<vmem>>
    %dma_wait3A_111 = tpu.memref_squeeze %dma_wait3A_110 : memref<1x128xi32, #tpu.memory_space<vmem>> -> memref<128xi32, #tpu.memory_space<vmem>>
    %dma_wait3A_112 = arith.constant 0 : i32
    %dma_wait3A_113 = arith.constant 0 : i32
    %dma_wait3A_114 = tpu.memref_slice %arg2[%dma_wait3A_112, %dma_wait3A_113] : memref<100001x128xf32, #tpu.memory_space<hbm>> -> memref<100001x128xf32, #tpu.memory_space<hbm>>
    tpu.wait_indirect_dma semaphore(%arg9 : memref<!tpu.dma_semaphore, #tpu.memory_space<semaphore_mem>>) src(%dma_wait3A_114 : memref<100001x128xf32, #tpu.memory_space<hbm>>) dst(%dma_wait3A_108 : memref<128x128xf32, #tpu.memory_space<vmem>>)
    %dma_wait3A_115 = arith.constant 0 : i32
    %dma_wait3A_116 = arith.constant 1 : i32
    %dma_wait3A_117 = arith.constant 0 : i32
    %dma_wait3A_118 = arith.constant 0 : i32
    %dma_wait3A_119 = tpu.memref_slice %arg7[%dma_wait3A_116, %dma_wait3A_117, %dma_wait3A_118] : memref<2x128x128xf32, #tpu.memory_space<vmem>> -> memref<1x128x128xf32, #tpu.memory_space<vmem>>
    %dma_wait3A_120 = tpu.memref_squeeze %dma_wait3A_119 : memref<1x128x128xf32, #tpu.memory_space<vmem>> -> memref<128x128xf32, #tpu.memory_space<vmem>>
    %dma_wait3A_121 = arith.constant 0 : i32
    %dma_wait3A_122 = tpu.memref_slice %arg5[%dma_wait3A_115, %dma_wait3A_121] : memref<50x128xi32, #tpu.memory_space<vmem>> -> memref<1x128xi32, #tpu.memory_space<vmem>>
    %dma_wait3A_123 = tpu.memref_squeeze %dma_wait3A_122 : memref<1x128xi32, #tpu.memory_space<vmem>> -> memref<128xi32, #tpu.memory_space<vmem>>
    %dma_wait3A_124 = arith.constant 0 : i32
    %dma_wait3A_125 = arith.constant 0 : i32
    %dma_wait3A_126 = tpu.memref_slice %arg2[%dma_wait3A_124, %dma_wait3A_125] : memref<100001x128xf32, #tpu.memory_space<hbm>> -> memref<100001x128xf32, #tpu.memory_space<hbm>>
    tpu.wait_indirect_dma semaphore(%arg9 : memref<!tpu.dma_semaphore, #tpu.memory_space<semaphore_mem>>) src(%dma_wait3A_126 : memref<100001x128xf32, #tpu.memory_space<hbm>>) dst(%dma_wait3A_120 : memref<128x128xf32, #tpu.memory_space<vmem>>)
    %dma_start3A_127 = arith.constant 2 : i32
    %dma_start3A_128 = arith.constant 0 : i32
    %dma_start3A_129 = tpu.memref_slice %arg4[%dma_start3A_127, %mul3A_2, %dma_start3A_128] : memref<50x4096x128xf32, #tpu.memory_space<hbm>> -> memref<2x128x128xf32, #tpu.memory_space<hbm>>
    %dma_start3A_130 = arith.constant 2 : i32
    %dma_start3A_131 = arith.constant 0 : i32
    %dma_start3A_132 = tpu.memref_slice %arg4[%dma_start3A_130, %mul3A_2, %dma_start3A_131] : memref<50x4096x128xf32, #tpu.memory_space<hbm>> -> memref<2x128x128xf32, #tpu.memory_space<hbm>>
    tpu.enqueue_dma source(%arg7 : memref<2x128x128xf32, #tpu.memory_space<vmem>>) target(%dma_start3A_132 : memref<2x128x128xf32, #tpu.memory_space<hbm>>) target_semaphore(%arg10 : memref<!tpu.dma_semaphore, #tpu.memory_space<semaphore_mem>>)
    %dma_wait3A_133 = arith.constant 0 : i32
    %dma_wait3A_134 = arith.constant 0 : i32
    %dma_wait3A_135 = tpu.memref_slice %arg4[%dma_wait3A_133, %mul3A_2, %dma_wait3A_134] : memref<50x4096x128xf32, #tpu.memory_space<hbm>> -> memref<2x128x128xf32, #tpu.memory_space<hbm>>
    %dma_wait3A_136 = arith.constant 0 : i32
    %dma_wait3A_137 = arith.constant 0 : i32
    %dma_wait3A_138 = tpu.memref_slice %arg4[%dma_wait3A_136, %mul3A_2, %dma_wait3A_137] : memref<50x4096x128xf32, #tpu.memory_space<hbm>> -> memref<2x128x128xf32, #tpu.memory_space<hbm>>
    tpu.wait_dma2 semaphore(%arg10 : memref<!tpu.dma_semaphore, #tpu.memory_space<semaphore_mem>>) src(%arg6 : memref<2x128x128xf32, #tpu.memory_space<vmem>>) dst(%dma_wait3A_138 : memref<2x128x128xf32, #tpu.memory_space<hbm>>)
    %dma_start3A_139 = arith.constant 6 : i32
    %dma_start3A_140 = arith.constant 0 : i32
    %dma_start3A_141 = arith.constant 0 : i32
    %dma_start3A_142 = arith.constant 0 : i32
    %dma_start3A_143 = tpu.memref_slice %arg6[%dma_start3A_140, %dma_start3A_141, %dma_start3A_142] : memref<2x128x128xf32, #tpu.memory_space<vmem>> -> memref<1x128x128xf32, #tpu.memory_space<vmem>>
    %dma_start3A_144 = tpu.memref_squeeze %dma_start3A_143 : memref<1x128x128xf32, #tpu.memory_space<vmem>> -> memref<128x128xf32, #tpu.memory_space<vmem>>
    %dma_start3A_145 = arith.constant 0 : i32
    %dma_start3A_146 = tpu.memref_slice %arg5[%dma_start3A_139, %dma_start3A_145] : memref<50x128xi32, #tpu.memory_space<vmem>> -> memref<1x128xi32, #tpu.memory_space<vmem>>
    %dma_start3A_147 = tpu.memref_squeeze %dma_start3A_146 : memref<1x128xi32, #tpu.memory_space<vmem>> -> memref<128xi32, #tpu.memory_space<vmem>>
    %dma_start3A_148 = arith.constant 0 : i32
    %dma_start3A_149 = arith.constant 0 : i32
    %dma_start3A_150 = tpu.memref_slice %arg2[%dma_start3A_148, %dma_start3A_149] : memref<100001x128xf32, #tpu.memory_space<hbm>> -> memref<100001x128xf32, #tpu.memory_space<hbm>>
    tpu.enqueue_indirect_dma source(%dma_start3A_150 : memref<100001x128xf32, #tpu.memory_space<hbm>>) target(%dma_start3A_144 : memref<128x128xf32, #tpu.memory_space<vmem>>) offsets(%dma_start3A_147 : memref<128xi32, #tpu.memory_space<vmem>>) semaphore(%arg9 : memref<!tpu.dma_semaphore, #tpu.memory_space<semaphore_mem>>)
    %dma_start3A_151 = arith.constant 7 : i32
    %dma_start3A_152 = arith.constant 1 : i32
    %dma_start3A_153 = arith.constant 0 : i32
    %dma_start3A_154 = arith.constant 0 : i32
    %dma_start3A_155 = tpu.memref_slice %arg6[%dma_start3A_152, %dma_start3A_153, %dma_start3A_154] : memref<2x128x128xf32, #tpu.memory_space<vmem>> -> memref<1x128x128xf32, #tpu.memory_space<vmem>>
    %dma_start3A_156 = tpu.memref_squeeze %dma_start3A_155 : memref<1x128x128xf32, #tpu.memory_space<vmem>> -> memref<128x128xf32, #tpu.memory_space<vmem>>
    %dma_start3A_157 = arith.constant 0 : i32
    %dma_start3A_158 = tpu.memref_slice %arg5[%dma_start3A_151, %dma_start3A_157] : memref<50x128xi32, #tpu.memory_space<vmem>> -> memref<1x128xi32, #tpu.memory_space<vmem>>
    %dma_start3A_159 = tpu.memref_squeeze %dma_start3A_158 : memref<1x128xi32, #tpu.memory_space<vmem>> -> memref<128xi32, #tpu.memory_space<vmem>>
    %dma_start3A_160 = arith.constant 0 : i32
    %dma_start3A_161 = arith.constant 0 : i32
    %dma_start3A_162 = tpu.memref_slice %arg2[%dma_start3A_160, %dma_start3A_161] : memref<100001x128xf32, #tpu.memory_space<hbm>> -> memref<100001x128xf32, #tpu.memory_space<hbm>>
    tpu.enqueue_indirect_dma source(%dma_start3A_162 : memref<100001x128xf32, #tpu.memory_space<hbm>>) target(%dma_start3A_156 : memref<128x128xf32, #tpu.memory_space<vmem>>) offsets(%dma_start3A_159 : memref<128xi32, #tpu.memory_space<vmem>>) semaphore(%arg9 : memref<!tpu.dma_semaphore, #tpu.memory_space<semaphore_mem>>)
    %dma_wait3A_163 = arith.constant 0 : i32
    %dma_wait3A_164 = arith.constant 0 : i32
    %dma_wait3A_165 = arith.constant 0 : i32
    %dma_wait3A_166 = arith.constant 0 : i32
    %dma_wait3A_167 = tpu.memref_slice %arg8[%dma_wait3A_164, %dma_wait3A_165, %dma_wait3A_166] : memref<2x128x128xf32, #tpu.memory_space<vmem>> -> memref<1x128x128xf32, #tpu.memory_space<vmem>>
    %dma_wait3A_168 = tpu.memref_squeeze %dma_wait3A_167 : memref<1x128x128xf32, #tpu.memory_space<vmem>> -> memref<128x128xf32, #tpu.memory_space<vmem>>
    %dma_wait3A_169 = arith.constant 0 : i32
    %dma_wait3A_170 = tpu.memref_slice %arg5[%dma_wait3A_163, %dma_wait3A_169] : memref<50x128xi32, #tpu.memory_space<vmem>> -> memref<1x128xi32, #tpu.memory_space<vmem>>
    %dma_wait3A_171 = tpu.memref_squeeze %dma_wait3A_170 : memref<1x128xi32, #tpu.memory_space<vmem>> -> memref<128xi32, #tpu.memory_space<vmem>>
    %dma_wait3A_172 = arith.constant 0 : i32
    %dma_wait3A_173 = arith.constant 0 : i32
    %dma_wait3A_174 = tpu.memref_slice %arg2[%dma_wait3A_172, %dma_wait3A_173] : memref<100001x128xf32, #tpu.memory_space<hbm>> -> memref<100001x128xf32, #tpu.memory_space<hbm>>
    tpu.wait_indirect_dma semaphore(%arg9 : memref<!tpu.dma_semaphore, #tpu.memory_space<semaphore_mem>>) src(%dma_wait3A_174 : memref<100001x128xf32, #tpu.memory_space<hbm>>) dst(%dma_wait3A_168 : memref<128x128xf32, #tpu.memory_space<vmem>>)
    %dma_wait3A_175 = arith.constant 0 : i32
    %dma_wait3A_176 = arith.constant 1 : i32
    %dma_wait3A_177 = arith.constant 0 : i32
    %dma_wait3A_178 = arith.constant 0 : i32
    %dma_wait3A_179 = tpu.memref_slice %arg8[%dma_wait3A_176, %dma_wait3A_177, %dma_wait3A_178] : memref<2x128x128xf32, #tpu.memory_space<vmem>> -> memref<1x128x128xf32, #tpu.memory_space<vmem>>
    %dma_wait3A_180 = tpu.memref_squeeze %dma_wait3A_179 : memref<1x128x128xf32, #tpu.memory_space<vmem>> -> memref<128x128xf32, #tpu.memory_space<vmem>>
    %dma_wait3A_181 = arith.constant 0 : i32
    %dma_wait3A_182 = tpu.memref_slice %arg5[%dma_wait3A_175, %dma_wait3A_181] : memref<50x128xi32, #tpu.memory_space<vmem>> -> memref<1x128xi32, #tpu.memory_space<vmem>>
    %dma_wait3A_183 = tpu.memref_squeeze %dma_wait3A_182 : memref<1x128xi32, #tpu.memory_space<vmem>> -> memref<128xi32, #tpu.memory_space<vmem>>
    %dma_wait3A_184 = arith.constant 0 : i32
    %dma_wait3A_185 = arith.constant 0 : i32
    %dma_wait3A_186 = tpu.memref_slice %arg2[%dma_wait3A_184, %dma_wait3A_185] : memref<100001x128xf32, #tpu.memory_space<hbm>> -> memref<100001x128xf32, #tpu.memory_space<hbm>>
    tpu.wait_indirect_dma semaphore(%arg9 : memref<!tpu.dma_semaphore, #tpu.memory_space<semaphore_mem>>) src(%dma_wait3A_186 : memref<100001x128xf32, #tpu.memory_space<hbm>>) dst(%dma_wait3A_180 : memref<128x128xf32, #tpu.memory_space<vmem>>)
    %dma_start3A_187 = arith.constant 4 : i32
    %dma_start3A_188 = arith.constant 0 : i32
    %dma_start3A_189 = tpu.memref_slice %arg4[%dma_start3A_187, %mul3A_2, %dma_start3A_188] : memref<50x4096x128xf32, #tpu.memory_space<hbm>> -> memref<2x128x128xf32, #tpu.memory_space<hbm>>
    %dma_start3A_190 = arith.constant 4 : i32
    %dma_start3A_191 = arith.constant 0 : i32
    %dma_start3A_192 = tpu.memref_slice %arg4[%dma_start3A_190, %mul3A_2, %dma_start3A_191] : memref<50x4096x128xf32, #tpu.memory_space<hbm>> -> memref<2x128x128xf32, #tpu.memory_space<hbm>>
    tpu.enqueue_dma source(%arg8 : memref<2x128x128xf32, #tpu.memory_space<vmem>>) target(%dma_start3A_192 : memref<2x128x128xf32, #tpu.memory_space<hbm>>) target_semaphore(%arg10 : memref<!tpu.dma_semaphore, #tpu.memory_space<semaphore_mem>>)
    %dma_wait3A_193 = arith.constant 0 : i32
    %dma_wait3A_194 = arith.constant 0 : i32
    %dma_wait3A_195 = tpu.memref_slice %arg4[%dma_wait3A_193, %mul3A_2, %dma_wait3A_194] : memref<50x4096x128xf32, #tpu.memory_space<hbm>> -> memref<2x128x128xf32, #tpu.memory_space<hbm>>
    %dma_wait3A_196 = arith.constant 0 : i32
    %dma_wait3A_197 = arith.constant 0 : i32
    %dma_wait3A_198 = tpu.memref_slice %arg4[%dma_wait3A_196, %mul3A_2, %dma_wait3A_197] : memref<50x4096x128xf32, #tpu.memory_space<hbm>> -> memref<2x128x128xf32, #tpu.memory_space<hbm>>
    tpu.wait_dma2 semaphore(%arg10 : memref<!tpu.dma_semaphore, #tpu.memory_space<semaphore_mem>>) src(%arg7 : memref<2x128x128xf32, #tpu.memory_space<vmem>>) dst(%dma_wait3A_198 : memref<2x128x128xf32, #tpu.memory_space<hbm>>)
    %dma_start3A_199 = arith.constant 8 : i32
    %dma_start3A_200 = arith.constant 0 : i32
    %dma_start3A_201 = arith.constant 0 : i32
    %dma_start3A_202 = arith.constant 0 : i32
    %dma_start3A_203 = tpu.memref_slice %arg7[%dma_start3A_200, %dma_start3A_201, %dma_start3A_202] : memref<2x128x128xf32, #tpu.memory_space<vmem>> -> memref<1x128x128xf32, #tpu.memory_space<vmem>>
    %dma_start3A_204 = tpu.memref_squeeze %dma_start3A_203 : memref<1x128x128xf32, #tpu.memory_space<vmem>> -> memref<128x128xf32, #tpu.memory_space<vmem>>
    %dma_start3A_205 = arith.constant 0 : i32
    %dma_start3A_206 = tpu.memref_slice %arg5[%dma_start3A_199, %dma_start3A_205] : memref<50x128xi32, #tpu.memory_space<vmem>> -> memref<1x128xi32, #tpu.memory_space<vmem>>
    %dma_start3A_207 = tpu.memref_squeeze %dma_start3A_206 : memref<1x128xi32, #tpu.memory_space<vmem>> -> memref<128xi32, #tpu.memory_space<vmem>>
    %dma_start3A_208 = arith.constant 0 : i32
    %dma_start3A_209 = arith.constant 0 : i32
    %dma_start3A_210 = tpu.memref_slice %arg2[%dma_start3A_208, %dma_start3A_209] : memref<100001x128xf32, #tpu.memory_space<hbm>> -> memref<100001x128xf32, #tpu.memory_space<hbm>>
    tpu.enqueue_indirect_dma source(%dma_start3A_210 : memref<100001x128xf32, #tpu.memory_space<hbm>>) target(%dma_start3A_204 : memref<128x128xf32, #tpu.memory_space<vmem>>) offsets(%dma_start3A_207 : memref<128xi32, #tpu.memory_space<vmem>>) semaphore(%arg9 : memref<!tpu.dma_semaphore, #tpu.memory_space<semaphore_mem>>)
    %dma_start3A_211 = arith.constant 9 : i32
    %dma_start3A_212 = arith.constant 1 : i32
    %dma_start3A_213 = arith.constant 0 : i32
    %dma_start3A_214 = arith.constant 0 : i32
    %dma_start3A_215 = tpu.memref_slice %arg7[%dma_start3A_212, %dma_start3A_213, %dma_start3A_214] : memref<2x128x128xf32, #tpu.memory_space<vmem>> -> memref<1x128x128xf32, #tpu.memory_space<vmem>>
    %dma_start3A_216 = tpu.memref_squeeze %dma_start3A_215 : memref<1x128x128xf32, #tpu.memory_space<vmem>> -> memref<128x128xf32, #tpu.memory_space<vmem>>
    %dma_start3A_217 = arith.constant 0 : i32
    %dma_start3A_218 = tpu.memref_slice %arg5[%dma_start3A_211, %dma_start3A_217] : memref<50x128xi32, #tpu.memory_space<vmem>> -> memref<1x128xi32, #tpu.memory_space<vmem>>
    %dma_start3A_219 = tpu.memref_squeeze %dma_start3A_218 : memref<1x128xi32, #tpu.memory_space<vmem>> -> memref<128xi32, #tpu.memory_space<vmem>>
    %dma_start3A_220 = arith.constant 0 : i32
    %dma_start3A_221 = arith.constant 0 : i32
    %dma_start3A_222 = tpu.memref_slice %arg2[%dma_start3A_220, %dma_start3A_221] : memref<100001x128xf32, #tpu.memory_space<hbm>> -> memref<100001x128xf32, #tpu.memory_space<hbm>>
    tpu.enqueue_indirect_dma source(%dma_start3A_222 : memref<100001x128xf32, #tpu.memory_space<hbm>>) target(%dma_start3A_216 : memref<128x128xf32, #tpu.memory_space<vmem>>) offsets(%dma_start3A_219 : memref<128xi32, #tpu.memory_space<vmem>>) semaphore(%arg9 : memref<!tpu.dma_semaphore, #tpu.memory_space<semaphore_mem>>)
    %scan3A = arith.constant 0 : i32
    %scan3A_223 = arith.constant 6 : i32
    %scan3A_224 = arith.addi %scan3A, %scan3A_223 : i32
    %scan3A_225 = arith.constant 1 : i32
    scf.for %scan3A_425 = %scan3A to %scan3A_224 step %scan3A_225  : i32 {
      %mul3A_426 = arith.constant 1 : i32
      %mul3A_427 = arith.muli %scan3A_425, %mul3A_426 : i32
      %add3A_428 = arith.constant 1 : i32
      %add3A_429 = arith.addi %add3A_428, %mul3A_427 : i32
      %mul3A_430 = arith.constant 3 : i32
      %mul3A_431 = arith.muli %mul3A_430, %add3A_429 : i32
      %add3A_432 = arith.constant 0 : i32
      %add3A_433 = arith.addi %mul3A_431, %add3A_432 : i32
      %dma_wait3A_434 = arith.constant 0 : i32
      %dma_wait3A_435 = arith.constant 0 : i32
      %dma_wait3A_436 = arith.constant 0 : i32
      %dma_wait3A_437 = arith.constant 0 : i32
      %dma_wait3A_438 = tpu.memref_slice %arg6[%dma_wait3A_435, %dma_wait3A_436, %dma_wait3A_437] : memref<2x128x128xf32, #tpu.memory_space<vmem>> -> memref<1x128x128xf32, #tpu.memory_space<vmem>>
      %dma_wait3A_439 = tpu.memref_squeeze %dma_wait3A_438 : memref<1x128x128xf32, #tpu.memory_space<vmem>> -> memref<128x128xf32, #tpu.memory_space<vmem>>
      %dma_wait3A_440 = arith.constant 0 : i32
      %dma_wait3A_441 = tpu.memref_slice %arg5[%dma_wait3A_434, %dma_wait3A_440] : memref<50x128xi32, #tpu.memory_space<vmem>> -> memref<1x128xi32, #tpu.memory_space<vmem>>
      %dma_wait3A_442 = tpu.memref_squeeze %dma_wait3A_441 : memref<1x128xi32, #tpu.memory_space<vmem>> -> memref<128xi32, #tpu.memory_space<vmem>>
      %dma_wait3A_443 = arith.constant 0 : i32
      %dma_wait3A_444 = arith.constant 0 : i32
      %dma_wait3A_445 = tpu.memref_slice %arg2[%dma_wait3A_443, %dma_wait3A_444] : memref<100001x128xf32, #tpu.memory_space<hbm>> -> memref<100001x128xf32, #tpu.memory_space<hbm>>
      tpu.wait_indirect_dma semaphore(%arg9 : memref<!tpu.dma_semaphore, #tpu.memory_space<semaphore_mem>>) src(%dma_wait3A_445 : memref<100001x128xf32, #tpu.memory_space<hbm>>) dst(%dma_wait3A_439 : memref<128x128xf32, #tpu.memory_space<vmem>>)
      %dma_wait3A_446 = arith.constant 0 : i32
      %dma_wait3A_447 = arith.constant 1 : i32
      %dma_wait3A_448 = arith.constant 0 : i32
      %dma_wait3A_449 = arith.constant 0 : i32
      %dma_wait3A_450 = tpu.memref_slice %arg6[%dma_wait3A_447, %dma_wait3A_448, %dma_wait3A_449] : memref<2x128x128xf32, #tpu.memory_space<vmem>> -> memref<1x128x128xf32, #tpu.memory_space<vmem>>
      %dma_wait3A_451 = tpu.memref_squeeze %dma_wait3A_450 : memref<1x128x128xf32, #tpu.memory_space<vmem>> -> memref<128x128xf32, #tpu.memory_space<vmem>>
      %dma_wait3A_452 = arith.constant 0 : i32
      %dma_wait3A_453 = tpu.memref_slice %arg5[%dma_wait3A_446, %dma_wait3A_452] : memref<50x128xi32, #tpu.memory_space<vmem>> -> memref<1x128xi32, #tpu.memory_space<vmem>>
      %dma_wait3A_454 = tpu.memref_squeeze %dma_wait3A_453 : memref<1x128xi32, #tpu.memory_space<vmem>> -> memref<128xi32, #tpu.memory_space<vmem>>
      %dma_wait3A_455 = arith.constant 0 : i32
      %dma_wait3A_456 = arith.constant 0 : i32
      %dma_wait3A_457 = tpu.memref_slice %arg2[%dma_wait3A_455, %dma_wait3A_456] : memref<100001x128xf32, #tpu.memory_space<hbm>> -> memref<100001x128xf32, #tpu.memory_space<hbm>>
      tpu.wait_indirect_dma semaphore(%arg9 : memref<!tpu.dma_semaphore, #tpu.memory_space<semaphore_mem>>) src(%dma_wait3A_457 : memref<100001x128xf32, #tpu.memory_space<hbm>>) dst(%dma_wait3A_451 : memref<128x128xf32, #tpu.memory_space<vmem>>)
      %mul3A_458 = arith.constant 2 : i32
      %mul3A_459 = arith.muli %mul3A_458, %add3A_433 : i32
      %dma_start3A_460 = arith.constant 0 : i32
      %dma_start3A_461 = tpu.memref_slice %arg4[%mul3A_459, %mul3A_2, %dma_start3A_460] : memref<50x4096x128xf32, #tpu.memory_space<hbm>> -> memref<2x128x128xf32, #tpu.memory_space<hbm>>
      %dma_start3A_462 = arith.constant 0 : i32
      %dma_start3A_463 = tpu.memref_slice %arg4[%mul3A_459, %mul3A_2, %dma_start3A_462] : memref<50x4096x128xf32, #tpu.memory_space<hbm>> -> memref<2x128x128xf32, #tpu.memory_space<hbm>>
      tpu.enqueue_dma source(%arg6 : memref<2x128x128xf32, #tpu.memory_space<vmem>>) target(%dma_start3A_463 : memref<2x128x128xf32, #tpu.memory_space<hbm>>) target_semaphore(%arg10 : memref<!tpu.dma_semaphore, #tpu.memory_space<semaphore_mem>>)
      %dma_wait3A_464 = arith.constant 0 : i32
      %dma_wait3A_465 = arith.constant 0 : i32
      %dma_wait3A_466 = tpu.memref_slice %arg4[%dma_wait3A_464, %mul3A_2, %dma_wait3A_465] : memref<50x4096x128xf32, #tpu.memory_space<hbm>> -> memref<2x128x128xf32, #tpu.memory_space<hbm>>
      %dma_wait3A_467 = arith.constant 0 : i32
      %dma_wait3A_468 = arith.constant 0 : i32
      %dma_wait3A_469 = tpu.memref_slice %arg4[%dma_wait3A_467, %mul3A_2, %dma_wait3A_468] : memref<50x4096x128xf32, #tpu.memory_space<hbm>> -> memref<2x128x128xf32, #tpu.memory_space<hbm>>
      tpu.wait_dma2 semaphore(%arg10 : memref<!tpu.dma_semaphore, #tpu.memory_space<semaphore_mem>>) src(%arg8 : memref<2x128x128xf32, #tpu.memory_space<vmem>>) dst(%dma_wait3A_469 : memref<2x128x128xf32, #tpu.memory_space<hbm>>)
      %add3A_470 = arith.constant 2 : i32
      %add3A_471 = arith.addi %add3A_433, %add3A_470 : i32
      %mul3A_472 = arith.constant 2 : i32
      %mul3A_473 = arith.muli %mul3A_472, %add3A_471 : i32
      %dma_start3A_474 = arith.constant 0 : i32
      %dma_start3A_475 = arith.constant 0 : i32
      %dma_start3A_476 = arith.constant 0 : i32
      %dma_start3A_477 = tpu.memref_slice %arg8[%dma_start3A_474, %dma_start3A_475, %dma_start3A_476] : memref<2x128x128xf32, #tpu.memory_space<vmem>> -> memref<1x128x128xf32, #tpu.memory_space<vmem>>
      %dma_start3A_478 = tpu.memref_squeeze %dma_start3A_477 : memref<1x128x128xf32, #tpu.memory_space<vmem>> -> memref<128x128xf32, #tpu.memory_space<vmem>>
      %dma_start3A_479 = arith.constant 0 : i32
      %dma_start3A_480 = tpu.memref_slice %arg5[%mul3A_473, %dma_start3A_479] : memref<50x128xi32, #tpu.memory_space<vmem>> -> memref<1x128xi32, #tpu.memory_space<vmem>>
      %dma_start3A_481 = tpu.memref_squeeze %dma_start3A_480 : memref<1x128xi32, #tpu.memory_space<vmem>> -> memref<128xi32, #tpu.memory_space<vmem>>
      %dma_start3A_482 = arith.constant 0 : i32
      %dma_start3A_483 = arith.constant 0 : i32
      %dma_start3A_484 = tpu.memref_slice %arg2[%dma_start3A_482, %dma_start3A_483] : memref<100001x128xf32, #tpu.memory_space<hbm>> -> memref<100001x128xf32, #tpu.memory_space<hbm>>
      tpu.enqueue_indirect_dma source(%dma_start3A_484 : memref<100001x128xf32, #tpu.memory_space<hbm>>) target(%dma_start3A_478 : memref<128x128xf32, #tpu.memory_space<vmem>>) offsets(%dma_start3A_481 : memref<128xi32, #tpu.memory_space<vmem>>) semaphore(%arg9 : memref<!tpu.dma_semaphore, #tpu.memory_space<semaphore_mem>>)
      %mul3A_485 = arith.constant 2 : i32
      %mul3A_486 = arith.muli %mul3A_485, %add3A_471 : i32
      %add3A_487 = arith.constant 1 : i32
      %add3A_488 = arith.addi %mul3A_486, %add3A_487 : i32
      %dma_start3A_489 = arith.constant 1 : i32
      %dma_start3A_490 = arith.constant 0 : i32
      %dma_start3A_491 = arith.constant 0 : i32
      %dma_start3A_492 = tpu.memref_slice %arg8[%dma_start3A_489, %dma_start3A_490, %dma_start3A_491] : memref<2x128x128xf32, #tpu.memory_space<vmem>> -> memref<1x128x128xf32, #tpu.memory_space<vmem>>
      %dma_start3A_493 = tpu.memref_squeeze %dma_start3A_492 : memref<1x128x128xf32, #tpu.memory_space<vmem>> -> memref<128x128xf32, #tpu.memory_space<vmem>>
      %dma_start3A_494 = arith.constant 0 : i32
      %dma_start3A_495 = tpu.memref_slice %arg5[%add3A_488, %dma_start3A_494] : memref<50x128xi32, #tpu.memory_space<vmem>> -> memref<1x128xi32, #tpu.memory_space<vmem>>
      %dma_start3A_496 = tpu.memref_squeeze %dma_start3A_495 : memref<1x128xi32, #tpu.memory_space<vmem>> -> memref<128xi32, #tpu.memory_space<vmem>>
      %dma_start3A_497 = arith.constant 0 : i32
      %dma_start3A_498 = arith.constant 0 : i32
      %dma_start3A_499 = tpu.memref_slice %arg2[%dma_start3A_497, %dma_start3A_498] : memref<100001x128xf32, #tpu.memory_space<hbm>> -> memref<100001x128xf32, #tpu.memory_space<hbm>>
      tpu.enqueue_indirect_dma source(%dma_start3A_499 : memref<100001x128xf32, #tpu.memory_space<hbm>>) target(%dma_start3A_493 : memref<128x128xf32, #tpu.memory_space<vmem>>) offsets(%dma_start3A_496 : memref<128xi32, #tpu.memory_space<vmem>>) semaphore(%arg9 : memref<!tpu.dma_semaphore, #tpu.memory_space<semaphore_mem>>)
      %add3A_500 = arith.constant 1 : i32
      %add3A_501 = arith.addi %mul3A_431, %add3A_500 : i32
      %dma_wait3A_502 = arith.constant 0 : i32
      %dma_wait3A_503 = arith.constant 0 : i32
      %dma_wait3A_504 = arith.constant 0 : i32
      %dma_wait3A_505 = arith.constant 0 : i32
      %dma_wait3A_506 = tpu.memref_slice %arg7[%dma_wait3A_503, %dma_wait3A_504, %dma_wait3A_505] : memref<2x128x128xf32, #tpu.memory_space<vmem>> -> memref<1x128x128xf32, #tpu.memory_space<vmem>>
      %dma_wait3A_507 = tpu.memref_squeeze %dma_wait3A_506 : memref<1x128x128xf32, #tpu.memory_space<vmem>> -> memref<128x128xf32, #tpu.memory_space<vmem>>
      %dma_wait3A_508 = arith.constant 0 : i32
      %dma_wait3A_509 = tpu.memref_slice %arg5[%dma_wait3A_502, %dma_wait3A_508] : memref<50x128xi32, #tpu.memory_space<vmem>> -> memref<1x128xi32, #tpu.memory_space<vmem>>
      %dma_wait3A_510 = tpu.memref_squeeze %dma_wait3A_509 : memref<1x128xi32, #tpu.memory_space<vmem>> -> memref<128xi32, #tpu.memory_space<vmem>>
      %dma_wait3A_511 = arith.constant 0 : i32
      %dma_wait3A_512 = arith.constant 0 : i32
      %dma_wait3A_513 = tpu.memref_slice %arg2[%dma_wait3A_511, %dma_wait3A_512] : memref<100001x128xf32, #tpu.memory_space<hbm>> -> memref<100001x128xf32, #tpu.memory_space<hbm>>
      tpu.wait_indirect_dma semaphore(%arg9 : memref<!tpu.dma_semaphore, #tpu.memory_space<semaphore_mem>>) src(%dma_wait3A_513 : memref<100001x128xf32, #tpu.memory_space<hbm>>) dst(%dma_wait3A_507 : memref<128x128xf32, #tpu.memory_space<vmem>>)
      %dma_wait3A_514 = arith.constant 0 : i32
      %dma_wait3A_515 = arith.constant 1 : i32
      %dma_wait3A_516 = arith.constant 0 : i32
      %dma_wait3A_517 = arith.constant 0 : i32
      %dma_wait3A_518 = tpu.memref_slice %arg7[%dma_wait3A_515, %dma_wait3A_516, %dma_wait3A_517] : memref<2x128x128xf32, #tpu.memory_space<vmem>> -> memref<1x128x128xf32, #tpu.memory_space<vmem>>
      %dma_wait3A_519 = tpu.memref_squeeze %dma_wait3A_518 : memref<1x128x128xf32, #tpu.memory_space<vmem>> -> memref<128x128xf32, #tpu.memory_space<vmem>>
      %dma_wait3A_520 = arith.constant 0 : i32
      %dma_wait3A_521 = tpu.memref_slice %arg5[%dma_wait3A_514, %dma_wait3A_520] : memref<50x128xi32, #tpu.memory_space<vmem>> -> memref<1x128xi32, #tpu.memory_space<vmem>>
      %dma_wait3A_522 = tpu.memref_squeeze %dma_wait3A_521 : memref<1x128xi32, #tpu.memory_space<vmem>> -> memref<128xi32, #tpu.memory_space<vmem>>
      %dma_wait3A_523 = arith.constant 0 : i32
      %dma_wait3A_524 = arith.constant 0 : i32
      %dma_wait3A_525 = tpu.memref_slice %arg2[%dma_wait3A_523, %dma_wait3A_524] : memref<100001x128xf32, #tpu.memory_space<hbm>> -> memref<100001x128xf32, #tpu.memory_space<hbm>>
      tpu.wait_indirect_dma semaphore(%arg9 : memref<!tpu.dma_semaphore, #tpu.memory_space<semaphore_mem>>) src(%dma_wait3A_525 : memref<100001x128xf32, #tpu.memory_space<hbm>>) dst(%dma_wait3A_519 : memref<128x128xf32, #tpu.memory_space<vmem>>)
      %mul3A_526 = arith.constant 2 : i32
      %mul3A_527 = arith.muli %mul3A_526, %add3A_501 : i32
      %dma_start3A_528 = arith.constant 0 : i32
      %dma_start3A_529 = tpu.memref_slice %arg4[%mul3A_527, %mul3A_2, %dma_start3A_528] : memref<50x4096x128xf32, #tpu.memory_space<hbm>> -> memref<2x128x128xf32, #tpu.memory_space<hbm>>
      %dma_start3A_530 = arith.constant 0 : i32
      %dma_start3A_531 = tpu.memref_slice %arg4[%mul3A_527, %mul3A_2, %dma_start3A_530] : memref<50x4096x128xf32, #tpu.memory_space<hbm>> -> memref<2x128x128xf32, #tpu.memory_space<hbm>>
      tpu.enqueue_dma source(%arg7 : memref<2x128x128xf32, #tpu.memory_space<vmem>>) target(%dma_start3A_531 : memref<2x128x128xf32, #tpu.memory_space<hbm>>) target_semaphore(%arg10 : memref<!tpu.dma_semaphore, #tpu.memory_space<semaphore_mem>>)
      %dma_wait3A_532 = arith.constant 0 : i32
      %dma_wait3A_533 = arith.constant 0 : i32
      %dma_wait3A_534 = tpu.memref_slice %arg4[%dma_wait3A_532, %mul3A_2, %dma_wait3A_533] : memref<50x4096x128xf32, #tpu.memory_space<hbm>> -> memref<2x128x128xf32, #tpu.memory_space<hbm>>
      %dma_wait3A_535 = arith.constant 0 : i32
      %dma_wait3A_536 = arith.constant 0 : i32
      %dma_wait3A_537 = tpu.memref_slice %arg4[%dma_wait3A_535, %mul3A_2, %dma_wait3A_536] : memref<50x4096x128xf32, #tpu.memory_space<hbm>> -> memref<2x128x128xf32, #tpu.memory_space<hbm>>
      tpu.wait_dma2 semaphore(%arg10 : memref<!tpu.dma_semaphore, #tpu.memory_space<semaphore_mem>>) src(%arg6 : memref<2x128x128xf32, #tpu.memory_space<vmem>>) dst(%dma_wait3A_537 : memref<2x128x128xf32, #tpu.memory_space<hbm>>)
      %add3A_538 = arith.constant 2 : i32
      %add3A_539 = arith.addi %add3A_501, %add3A_538 : i32
      %mul3A_540 = arith.constant 2 : i32
      %mul3A_541 = arith.muli %mul3A_540, %add3A_539 : i32
      %dma_start3A_542 = arith.constant 0 : i32
      %dma_start3A_543 = arith.constant 0 : i32
      %dma_start3A_544 = arith.constant 0 : i32
      %dma_start3A_545 = tpu.memref_slice %arg6[%dma_start3A_542, %dma_start3A_543, %dma_start3A_544] : memref<2x128x128xf32, #tpu.memory_space<vmem>> -> memref<1x128x128xf32, #tpu.memory_space<vmem>>
      %dma_start3A_546 = tpu.memref_squeeze %dma_start3A_545 : memref<1x128x128xf32, #tpu.memory_space<vmem>> -> memref<128x128xf32, #tpu.memory_space<vmem>>
      %dma_start3A_547 = arith.constant 0 : i32
      %dma_start3A_548 = tpu.memref_slice %arg5[%mul3A_541, %dma_start3A_547] : memref<50x128xi32, #tpu.memory_space<vmem>> -> memref<1x128xi32, #tpu.memory_space<vmem>>
      %dma_start3A_549 = tpu.memref_squeeze %dma_start3A_548 : memref<1x128xi32, #tpu.memory_space<vmem>> -> memref<128xi32, #tpu.memory_space<vmem>>
      %dma_start3A_550 = arith.constant 0 : i32
      %dma_start3A_551 = arith.constant 0 : i32
      %dma_start3A_552 = tpu.memref_slice %arg2[%dma_start3A_550, %dma_start3A_551] : memref<100001x128xf32, #tpu.memory_space<hbm>> -> memref<100001x128xf32, #tpu.memory_space<hbm>>
      tpu.enqueue_indirect_dma source(%dma_start3A_552 : memref<100001x128xf32, #tpu.memory_space<hbm>>) target(%dma_start3A_546 : memref<128x128xf32, #tpu.memory_space<vmem>>) offsets(%dma_start3A_549 : memref<128xi32, #tpu.memory_space<vmem>>) semaphore(%arg9 : memref<!tpu.dma_semaphore, #tpu.memory_space<semaphore_mem>>)
      %mul3A_553 = arith.constant 2 : i32
      %mul3A_554 = arith.muli %mul3A_553, %add3A_539 : i32
      %add3A_555 = arith.constant 1 : i32
      %add3A_556 = arith.addi %mul3A_554, %add3A_555 : i32
      %dma_start3A_557 = arith.constant 1 : i32
      %dma_start3A_558 = arith.constant 0 : i32
      %dma_start3A_559 = arith.constant 0 : i32
      %dma_start3A_560 = tpu.memref_slice %arg6[%dma_start3A_557, %dma_start3A_558, %dma_start3A_559] : memref<2x128x128xf32, #tpu.memory_space<vmem>> -> memref<1x128x128xf32, #tpu.memory_space<vmem>>
      %dma_start3A_561 = tpu.memref_squeeze %dma_start3A_560 : memref<1x128x128xf32, #tpu.memory_space<vmem>> -> memref<128x128xf32, #tpu.memory_space<vmem>>
      %dma_start3A_562 = arith.constant 0 : i32
      %dma_start3A_563 = tpu.memref_slice %arg5[%add3A_556, %dma_start3A_562] : memref<50x128xi32, #tpu.memory_space<vmem>> -> memref<1x128xi32, #tpu.memory_space<vmem>>
      %dma_start3A_564 = tpu.memref_squeeze %dma_start3A_563 : memref<1x128xi32, #tpu.memory_space<vmem>> -> memref<128xi32, #tpu.memory_space<vmem>>
      %dma_start3A_565 = arith.constant 0 : i32
      %dma_start3A_566 = arith.constant 0 : i32
      %dma_start3A_567 = tpu.memref_slice %arg2[%dma_start3A_565, %dma_start3A_566] : memref<100001x128xf32, #tpu.memory_space<hbm>> -> memref<100001x128xf32, #tpu.memory_space<hbm>>
      tpu.enqueue_indirect_dma source(%dma_start3A_567 : memref<100001x128xf32, #tpu.memory_space<hbm>>) target(%dma_start3A_561 : memref<128x128xf32, #tpu.memory_space<vmem>>) offsets(%dma_start3A_564 : memref<128xi32, #tpu.memory_space<vmem>>) semaphore(%arg9 : memref<!tpu.dma_semaphore, #tpu.memory_space<semaphore_mem>>)
      %add3A_568 = arith.constant 2 : i32
      %add3A_569 = arith.addi %mul3A_431, %add3A_568 : i32
      %dma_wait3A_570 = arith.constant 0 : i32
      %dma_wait3A_571 = arith.constant 0 : i32
      %dma_wait3A_572 = arith.constant 0 : i32
      %dma_wait3A_573 = arith.constant 0 : i32
      %dma_wait3A_574 = tpu.memref_slice %arg8[%dma_wait3A_571, %dma_wait3A_572, %dma_wait3A_573] : memref<2x128x128xf32, #tpu.memory_space<vmem>> -> memref<1x128x128xf32, #tpu.memory_space<vmem>>
      %dma_wait3A_575 = tpu.memref_squeeze %dma_wait3A_574 : memref<1x128x128xf32, #tpu.memory_space<vmem>> -> memref<128x128xf32, #tpu.memory_space<vmem>>
      %dma_wait3A_576 = arith.constant 0 : i32
      %dma_wait3A_577 = tpu.memref_slice %arg5[%dma_wait3A_570, %dma_wait3A_576] : memref<50x128xi32, #tpu.memory_space<vmem>> -> memref<1x128xi32, #tpu.memory_space<vmem>>
      %dma_wait3A_578 = tpu.memref_squeeze %dma_wait3A_577 : memref<1x128xi32, #tpu.memory_space<vmem>> -> memref<128xi32, #tpu.memory_space<vmem>>
      %dma_wait3A_579 = arith.constant 0 : i32
      %dma_wait3A_580 = arith.constant 0 : i32
      %dma_wait3A_581 = tpu.memref_slice %arg2[%dma_wait3A_579, %dma_wait3A_580] : memref<100001x128xf32, #tpu.memory_space<hbm>> -> memref<100001x128xf32, #tpu.memory_space<hbm>>
      tpu.wait_indirect_dma semaphore(%arg9 : memref<!tpu.dma_semaphore, #tpu.memory_space<semaphore_mem>>) src(%dma_wait3A_581 : memref<100001x128xf32, #tpu.memory_space<hbm>>) dst(%dma_wait3A_575 : memref<128x128xf32, #tpu.memory_space<vmem>>)
      %dma_wait3A_582 = arith.constant 0 : i32
      %dma_wait3A_583 = arith.constant 1 : i32
      %dma_wait3A_584 = arith.constant 0 : i32
      %dma_wait3A_585 = arith.constant 0 : i32
      %dma_wait3A_586 = tpu.memref_slice %arg8[%dma_wait3A_583, %dma_wait3A_584, %dma_wait3A_585] : memref<2x128x128xf32, #tpu.memory_space<vmem>> -> memref<1x128x128xf32, #tpu.memory_space<vmem>>
      %dma_wait3A_587 = tpu.memref_squeeze %dma_wait3A_586 : memref<1x128x128xf32, #tpu.memory_space<vmem>> -> memref<128x128xf32, #tpu.memory_space<vmem>>
      %dma_wait3A_588 = arith.constant 0 : i32
      %dma_wait3A_589 = tpu.memref_slice %arg5[%dma_wait3A_582, %dma_wait3A_588] : memref<50x128xi32, #tpu.memory_space<vmem>> -> memref<1x128xi32, #tpu.memory_space<vmem>>
      %dma_wait3A_590 = tpu.memref_squeeze %dma_wait3A_589 : memref<1x128xi32, #tpu.memory_space<vmem>> -> memref<128xi32, #tpu.memory_space<vmem>>
      %dma_wait3A_591 = arith.constant 0 : i32
      %dma_wait3A_592 = arith.constant 0 : i32
      %dma_wait3A_593 = tpu.memref_slice %arg2[%dma_wait3A_591, %dma_wait3A_592] : memref<100001x128xf32, #tpu.memory_space<hbm>> -> memref<100001x128xf32, #tpu.memory_space<hbm>>
      tpu.wait_indirect_dma semaphore(%arg9 : memref<!tpu.dma_semaphore, #tpu.memory_space<semaphore_mem>>) src(%dma_wait3A_593 : memref<100001x128xf32, #tpu.memory_space<hbm>>) dst(%dma_wait3A_587 : memref<128x128xf32, #tpu.memory_space<vmem>>)
      %mul3A_594 = arith.constant 2 : i32
      %mul3A_595 = arith.muli %mul3A_594, %add3A_569 : i32
      %dma_start3A_596 = arith.constant 0 : i32
      %dma_start3A_597 = tpu.memref_slice %arg4[%mul3A_595, %mul3A_2, %dma_start3A_596] : memref<50x4096x128xf32, #tpu.memory_space<hbm>> -> memref<2x128x128xf32, #tpu.memory_space<hbm>>
      %dma_start3A_598 = arith.constant 0 : i32
      %dma_start3A_599 = tpu.memref_slice %arg4[%mul3A_595, %mul3A_2, %dma_start3A_598] : memref<50x4096x128xf32, #tpu.memory_space<hbm>> -> memref<2x128x128xf32, #tpu.memory_space<hbm>>
      tpu.enqueue_dma source(%arg8 : memref<2x128x128xf32, #tpu.memory_space<vmem>>) target(%dma_start3A_599 : memref<2x128x128xf32, #tpu.memory_space<hbm>>) target_semaphore(%arg10 : memref<!tpu.dma_semaphore, #tpu.memory_space<semaphore_mem>>)
      %dma_wait3A_600 = arith.constant 0 : i32
      %dma_wait3A_601 = arith.constant 0 : i32
      %dma_wait3A_602 = tpu.memref_slice %arg4[%dma_wait3A_600, %mul3A_2, %dma_wait3A_601] : memref<50x4096x128xf32, #tpu.memory_space<hbm>> -> memref<2x128x128xf32, #tpu.memory_space<hbm>>
      %dma_wait3A_603 = arith.constant 0 : i32
      %dma_wait3A_604 = arith.constant 0 : i32
      %dma_wait3A_605 = tpu.memref_slice %arg4[%dma_wait3A_603, %mul3A_2, %dma_wait3A_604] : memref<50x4096x128xf32, #tpu.memory_space<hbm>> -> memref<2x128x128xf32, #tpu.memory_space<hbm>>
      tpu.wait_dma2 semaphore(%arg10 : memref<!tpu.dma_semaphore, #tpu.memory_space<semaphore_mem>>) src(%arg7 : memref<2x128x128xf32, #tpu.memory_space<vmem>>) dst(%dma_wait3A_605 : memref<2x128x128xf32, #tpu.memory_space<hbm>>)
      %add3A_606 = arith.constant 2 : i32
      %add3A_607 = arith.addi %add3A_569, %add3A_606 : i32
      %mul3A_608 = arith.constant 2 : i32
      %mul3A_609 = arith.muli %mul3A_608, %add3A_607 : i32
      %dma_start3A_610 = arith.constant 0 : i32
      %dma_start3A_611 = arith.constant 0 : i32
      %dma_start3A_612 = arith.constant 0 : i32
      %dma_start3A_613 = tpu.memref_slice %arg7[%dma_start3A_610, %dma_start3A_611, %dma_start3A_612] : memref<2x128x128xf32, #tpu.memory_space<vmem>> -> memref<1x128x128xf32, #tpu.memory_space<vmem>>
      %dma_start3A_614 = tpu.memref_squeeze %dma_start3A_613 : memref<1x128x128xf32, #tpu.memory_space<vmem>> -> memref<128x128xf32, #tpu.memory_space<vmem>>
      %dma_start3A_615 = arith.constant 0 : i32
      %dma_start3A_616 = tpu.memref_slice %arg5[%mul3A_609, %dma_start3A_615] : memref<50x128xi32, #tpu.memory_space<vmem>> -> memref<1x128xi32, #tpu.memory_space<vmem>>
      %dma_start3A_617 = tpu.memref_squeeze %dma_start3A_616 : memref<1x128xi32, #tpu.memory_space<vmem>> -> memref<128xi32, #tpu.memory_space<vmem>>
      %dma_start3A_618 = arith.constant 0 : i32
      %dma_start3A_619 = arith.constant 0 : i32
      %dma_start3A_620 = tpu.memref_slice %arg2[%dma_start3A_618, %dma_start3A_619] : memref<100001x128xf32, #tpu.memory_space<hbm>> -> memref<100001x128xf32, #tpu.memory_space<hbm>>
      tpu.enqueue_indirect_dma source(%dma_start3A_620 : memref<100001x128xf32, #tpu.memory_space<hbm>>) target(%dma_start3A_614 : memref<128x128xf32, #tpu.memory_space<vmem>>) offsets(%dma_start3A_617 : memref<128xi32, #tpu.memory_space<vmem>>) semaphore(%arg9 : memref<!tpu.dma_semaphore, #tpu.memory_space<semaphore_mem>>)
      %mul3A_621 = arith.constant 2 : i32
      %mul3A_622 = arith.muli %mul3A_621, %add3A_607 : i32
      %add3A_623 = arith.constant 1 : i32
      %add3A_624 = arith.addi %mul3A_622, %add3A_623 : i32
      %dma_start3A_625 = arith.constant 1 : i32
      %dma_start3A_626 = arith.constant 0 : i32
      %dma_start3A_627 = arith.constant 0 : i32
      %dma_start3A_628 = tpu.memref_slice %arg7[%dma_start3A_625, %dma_start3A_626, %dma_start3A_627] : memref<2x128x128xf32, #tpu.memory_space<vmem>> -> memref<1x128x128xf32, #tpu.memory_space<vmem>>
      %dma_start3A_629 = tpu.memref_squeeze %dma_start3A_628 : memref<1x128x128xf32, #tpu.memory_space<vmem>> -> memref<128x128xf32, #tpu.memory_space<vmem>>
      %dma_start3A_630 = arith.constant 0 : i32
      %dma_start3A_631 = tpu.memref_slice %arg5[%add3A_624, %dma_start3A_630] : memref<50x128xi32, #tpu.memory_space<vmem>> -> memref<1x128xi32, #tpu.memory_space<vmem>>
      %dma_start3A_632 = tpu.memref_squeeze %dma_start3A_631 : memref<1x128xi32, #tpu.memory_space<vmem>> -> memref<128xi32, #tpu.memory_space<vmem>>
      %dma_start3A_633 = arith.constant 0 : i32
      %dma_start3A_634 = arith.constant 0 : i32
      %dma_start3A_635 = tpu.memref_slice %arg2[%dma_start3A_633, %dma_start3A_634] : memref<100001x128xf32, #tpu.memory_space<hbm>> -> memref<100001x128xf32, #tpu.memory_space<hbm>>
      tpu.enqueue_indirect_dma source(%dma_start3A_635 : memref<100001x128xf32, #tpu.memory_space<hbm>>) target(%dma_start3A_629 : memref<128x128xf32, #tpu.memory_space<vmem>>) offsets(%dma_start3A_632 : memref<128xi32, #tpu.memory_space<vmem>>) semaphore(%arg9 : memref<!tpu.dma_semaphore, #tpu.memory_space<semaphore_mem>>)
    }
    %scan3A_226 = arith.constant 6 : i32
    %dma_wait3A_227 = arith.constant 0 : i32
    %dma_wait3A_228 = arith.constant 0 : i32
    %dma_wait3A_229 = arith.constant 0 : i32
    %dma_wait3A_230 = arith.constant 0 : i32
    %dma_wait3A_231 = tpu.memref_slice %arg6[%dma_wait3A_228, %dma_wait3A_229, %dma_wait3A_230] : memref<2x128x128xf32, #tpu.memory_space<vmem>> -> memref<1x128x128xf32, #tpu.memory_space<vmem>>
    %dma_wait3A_232 = tpu.memref_squeeze %dma_wait3A_231 : memref<1x128x128xf32, #tpu.memory_space<vmem>> -> memref<128x128xf32, #tpu.memory_space<vmem>>
    %dma_wait3A_233 = arith.constant 0 : i32
    %dma_wait3A_234 = tpu.memref_slice %arg5[%dma_wait3A_227, %dma_wait3A_233] : memref<50x128xi32, #tpu.memory_space<vmem>> -> memref<1x128xi32, #tpu.memory_space<vmem>>
    %dma_wait3A_235 = tpu.memref_squeeze %dma_wait3A_234 : memref<1x128xi32, #tpu.memory_space<vmem>> -> memref<128xi32, #tpu.memory_space<vmem>>
    %dma_wait3A_236 = arith.constant 0 : i32
    %dma_wait3A_237 = arith.constant 0 : i32
    %dma_wait3A_238 = tpu.memref_slice %arg2[%dma_wait3A_236, %dma_wait3A_237] : memref<100001x128xf32, #tpu.memory_space<hbm>> -> memref<100001x128xf32, #tpu.memory_space<hbm>>
    tpu.wait_indirect_dma semaphore(%arg9 : memref<!tpu.dma_semaphore, #tpu.memory_space<semaphore_mem>>) src(%dma_wait3A_238 : memref<100001x128xf32, #tpu.memory_space<hbm>>) dst(%dma_wait3A_232 : memref<128x128xf32, #tpu.memory_space<vmem>>)
    %dma_wait3A_239 = arith.constant 0 : i32
    %dma_wait3A_240 = arith.constant 1 : i32
    %dma_wait3A_241 = arith.constant 0 : i32
    %dma_wait3A_242 = arith.constant 0 : i32
    %dma_wait3A_243 = tpu.memref_slice %arg6[%dma_wait3A_240, %dma_wait3A_241, %dma_wait3A_242] : memref<2x128x128xf32, #tpu.memory_space<vmem>> -> memref<1x128x128xf32, #tpu.memory_space<vmem>>
    %dma_wait3A_244 = tpu.memref_squeeze %dma_wait3A_243 : memref<1x128x128xf32, #tpu.memory_space<vmem>> -> memref<128x128xf32, #tpu.memory_space<vmem>>
    %dma_wait3A_245 = arith.constant 0 : i32
    %dma_wait3A_246 = tpu.memref_slice %arg5[%dma_wait3A_239, %dma_wait3A_245] : memref<50x128xi32, #tpu.memory_space<vmem>> -> memref<1x128xi32, #tpu.memory_space<vmem>>
    %dma_wait3A_247 = tpu.memref_squeeze %dma_wait3A_246 : memref<1x128xi32, #tpu.memory_space<vmem>> -> memref<128xi32, #tpu.memory_space<vmem>>
    %dma_wait3A_248 = arith.constant 0 : i32
    %dma_wait3A_249 = arith.constant 0 : i32
    %dma_wait3A_250 = tpu.memref_slice %arg2[%dma_wait3A_248, %dma_wait3A_249] : memref<100001x128xf32, #tpu.memory_space<hbm>> -> memref<100001x128xf32, #tpu.memory_space<hbm>>
    tpu.wait_indirect_dma semaphore(%arg9 : memref<!tpu.dma_semaphore, #tpu.memory_space<semaphore_mem>>) src(%dma_wait3A_250 : memref<100001x128xf32, #tpu.memory_space<hbm>>) dst(%dma_wait3A_244 : memref<128x128xf32, #tpu.memory_space<vmem>>)
    %dma_start3A_251 = arith.constant 42 : i32
    %dma_start3A_252 = arith.constant 0 : i32
    %dma_start3A_253 = tpu.memref_slice %arg4[%dma_start3A_251, %mul3A_2, %dma_start3A_252] : memref<50x4096x128xf32, #tpu.memory_space<hbm>> -> memref<2x128x128xf32, #tpu.memory_space<hbm>>
    %dma_start3A_254 = arith.constant 42 : i32
    %dma_start3A_255 = arith.constant 0 : i32
    %dma_start3A_256 = tpu.memref_slice %arg4[%dma_start3A_254, %mul3A_2, %dma_start3A_255] : memref<50x4096x128xf32, #tpu.memory_space<hbm>> -> memref<2x128x128xf32, #tpu.memory_space<hbm>>
    tpu.enqueue_dma source(%arg6 : memref<2x128x128xf32, #tpu.memory_space<vmem>>) target(%dma_start3A_256 : memref<2x128x128xf32, #tpu.memory_space<hbm>>) target_semaphore(%arg10 : memref<!tpu.dma_semaphore, #tpu.memory_space<semaphore_mem>>)
    %dma_wait3A_257 = arith.constant 0 : i32
    %dma_wait3A_258 = arith.constant 0 : i32
    %dma_wait3A_259 = tpu.memref_slice %arg4[%dma_wait3A_257, %mul3A_2, %dma_wait3A_258] : memref<50x4096x128xf32, #tpu.memory_space<hbm>> -> memref<2x128x128xf32, #tpu.memory_space<hbm>>
    %dma_wait3A_260 = arith.constant 0 : i32
    %dma_wait3A_261 = arith.constant 0 : i32
    %dma_wait3A_262 = tpu.memref_slice %arg4[%dma_wait3A_260, %mul3A_2, %dma_wait3A_261] : memref<50x4096x128xf32, #tpu.memory_space<hbm>> -> memref<2x128x128xf32, #tpu.memory_space<hbm>>
    tpu.wait_dma2 semaphore(%arg10 : memref<!tpu.dma_semaphore, #tpu.memory_space<semaphore_mem>>) src(%arg8 : memref<2x128x128xf32, #tpu.memory_space<vmem>>) dst(%dma_wait3A_262 : memref<2x128x128xf32, #tpu.memory_space<hbm>>)
    %dma_start3A_263 = arith.constant 46 : i32
    %dma_start3A_264 = arith.constant 0 : i32
    %dma_start3A_265 = arith.constant 0 : i32
    %dma_start3A_266 = arith.constant 0 : i32
    %dma_start3A_267 = tpu.memref_slice %arg8[%dma_start3A_264, %dma_start3A_265, %dma_start3A_266] : memref<2x128x128xf32, #tpu.memory_space<vmem>> -> memref<1x128x128xf32, #tpu.memory_space<vmem>>
    %dma_start3A_268 = tpu.memref_squeeze %dma_start3A_267 : memref<1x128x128xf32, #tpu.memory_space<vmem>> -> memref<128x128xf32, #tpu.memory_space<vmem>>
    %dma_start3A_269 = arith.constant 0 : i32
    %dma_start3A_270 = tpu.memref_slice %arg5[%dma_start3A_263, %dma_start3A_269] : memref<50x128xi32, #tpu.memory_space<vmem>> -> memref<1x128xi32, #tpu.memory_space<vmem>>
    %dma_start3A_271 = tpu.memref_squeeze %dma_start3A_270 : memref<1x128xi32, #tpu.memory_space<vmem>> -> memref<128xi32, #tpu.memory_space<vmem>>
    %dma_start3A_272 = arith.constant 0 : i32
    %dma_start3A_273 = arith.constant 0 : i32
    %dma_start3A_274 = tpu.memref_slice %arg2[%dma_start3A_272, %dma_start3A_273] : memref<100001x128xf32, #tpu.memory_space<hbm>> -> memref<100001x128xf32, #tpu.memory_space<hbm>>
    tpu.enqueue_indirect_dma source(%dma_start3A_274 : memref<100001x128xf32, #tpu.memory_space<hbm>>) target(%dma_start3A_268 : memref<128x128xf32, #tpu.memory_space<vmem>>) offsets(%dma_start3A_271 : memref<128xi32, #tpu.memory_space<vmem>>) semaphore(%arg9 : memref<!tpu.dma_semaphore, #tpu.memory_space<semaphore_mem>>)
    %dma_start3A_275 = arith.constant 47 : i32
    %dma_start3A_276 = arith.constant 1 : i32
    %dma_start3A_277 = arith.constant 0 : i32
    %dma_start3A_278 = arith.constant 0 : i32
    %dma_start3A_279 = tpu.memref_slice %arg8[%dma_start3A_276, %dma_start3A_277, %dma_start3A_278] : memref<2x128x128xf32, #tpu.memory_space<vmem>> -> memref<1x128x128xf32, #tpu.memory_space<vmem>>
    %dma_start3A_280 = tpu.memref_squeeze %dma_start3A_279 : memref<1x128x128xf32, #tpu.memory_space<vmem>> -> memref<128x128xf32, #tpu.memory_space<vmem>>
    %dma_start3A_281 = arith.constant 0 : i32
    %dma_start3A_282 = tpu.memref_slice %arg5[%dma_start3A_275, %dma_start3A_281] : memref<50x128xi32, #tpu.memory_space<vmem>> -> memref<1x128xi32, #tpu.memory_space<vmem>>
    %dma_start3A_283 = tpu.memref_squeeze %dma_start3A_282 : memref<1x128xi32, #tpu.memory_space<vmem>> -> memref<128xi32, #tpu.memory_space<vmem>>
    %dma_start3A_284 = arith.constant 0 : i32
    %dma_start3A_285 = arith.constant 0 : i32
    %dma_start3A_286 = tpu.memref_slice %arg2[%dma_start3A_284, %dma_start3A_285] : memref<100001x128xf32, #tpu.memory_space<hbm>> -> memref<100001x128xf32, #tpu.memory_space<hbm>>
    tpu.enqueue_indirect_dma source(%dma_start3A_286 : memref<100001x128xf32, #tpu.memory_space<hbm>>) target(%dma_start3A_280 : memref<128x128xf32, #tpu.memory_space<vmem>>) offsets(%dma_start3A_283 : memref<128xi32, #tpu.memory_space<vmem>>) semaphore(%arg9 : memref<!tpu.dma_semaphore, #tpu.memory_space<semaphore_mem>>)
    %dma_wait3A_287 = arith.constant 0 : i32
    %dma_wait3A_288 = arith.constant 0 : i32
    %dma_wait3A_289 = arith.constant 0 : i32
    %dma_wait3A_290 = arith.constant 0 : i32
    %dma_wait3A_291 = tpu.memref_slice %arg7[%dma_wait3A_288, %dma_wait3A_289, %dma_wait3A_290] : memref<2x128x128xf32, #tpu.memory_space<vmem>> -> memref<1x128x128xf32, #tpu.memory_space<vmem>>
    %dma_wait3A_292 = tpu.memref_squeeze %dma_wait3A_291 : memref<1x128x128xf32, #tpu.memory_space<vmem>> -> memref<128x128xf32, #tpu.memory_space<vmem>>
    %dma_wait3A_293 = arith.constant 0 : i32
    %dma_wait3A_294 = tpu.memref_slice %arg5[%dma_wait3A_287, %dma_wait3A_293] : memref<50x128xi32, #tpu.memory_space<vmem>> -> memref<1x128xi32, #tpu.memory_space<vmem>>
    %dma_wait3A_295 = tpu.memref_squeeze %dma_wait3A_294 : memref<1x128xi32, #tpu.memory_space<vmem>> -> memref<128xi32, #tpu.memory_space<vmem>>
    %dma_wait3A_296 = arith.constant 0 : i32
    %dma_wait3A_297 = arith.constant 0 : i32
    %dma_wait3A_298 = tpu.memref_slice %arg2[%dma_wait3A_296, %dma_wait3A_297] : memref<100001x128xf32, #tpu.memory_space<hbm>> -> memref<100001x128xf32, #tpu.memory_space<hbm>>
    tpu.wait_indirect_dma semaphore(%arg9 : memref<!tpu.dma_semaphore, #tpu.memory_space<semaphore_mem>>) src(%dma_wait3A_298 : memref<100001x128xf32, #tpu.memory_space<hbm>>) dst(%dma_wait3A_292 : memref<128x128xf32, #tpu.memory_space<vmem>>)
    %dma_wait3A_299 = arith.constant 0 : i32
    %dma_wait3A_300 = arith.constant 1 : i32
    %dma_wait3A_301 = arith.constant 0 : i32
    %dma_wait3A_302 = arith.constant 0 : i32
    %dma_wait3A_303 = tpu.memref_slice %arg7[%dma_wait3A_300, %dma_wait3A_301, %dma_wait3A_302] : memref<2x128x128xf32, #tpu.memory_space<vmem>> -> memref<1x128x128xf32, #tpu.memory_space<vmem>>
    %dma_wait3A_304 = tpu.memref_squeeze %dma_wait3A_303 : memref<1x128x128xf32, #tpu.memory_space<vmem>> -> memref<128x128xf32, #tpu.memory_space<vmem>>
    %dma_wait3A_305 = arith.constant 0 : i32
    %dma_wait3A_306 = tpu.memref_slice %arg5[%dma_wait3A_299, %dma_wait3A_305] : memref<50x128xi32, #tpu.memory_space<vmem>> -> memref<1x128xi32, #tpu.memory_space<vmem>>
    %dma_wait3A_307 = tpu.memref_squeeze %dma_wait3A_306 : memref<1x128xi32, #tpu.memory_space<vmem>> -> memref<128xi32, #tpu.memory_space<vmem>>
    %dma_wait3A_308 = arith.constant 0 : i32
    %dma_wait3A_309 = arith.constant 0 : i32
    %dma_wait3A_310 = tpu.memref_slice %arg2[%dma_wait3A_308, %dma_wait3A_309] : memref<100001x128xf32, #tpu.memory_space<hbm>> -> memref<100001x128xf32, #tpu.memory_space<hbm>>
    tpu.wait_indirect_dma semaphore(%arg9 : memref<!tpu.dma_semaphore, #tpu.memory_space<semaphore_mem>>) src(%dma_wait3A_310 : memref<100001x128xf32, #tpu.memory_space<hbm>>) dst(%dma_wait3A_304 : memref<128x128xf32, #tpu.memory_space<vmem>>)
    %dma_start3A_311 = arith.constant 44 : i32
    %dma_start3A_312 = arith.constant 0 : i32
    %dma_start3A_313 = tpu.memref_slice %arg4[%dma_start3A_311, %mul3A_2, %dma_start3A_312] : memref<50x4096x128xf32, #tpu.memory_space<hbm>> -> memref<2x128x128xf32, #tpu.memory_space<hbm>>
    %dma_start3A_314 = arith.constant 44 : i32
    %dma_start3A_315 = arith.constant 0 : i32
    %dma_start3A_316 = tpu.memref_slice %arg4[%dma_start3A_314, %mul3A_2, %dma_start3A_315] : memref<50x4096x128xf32, #tpu.memory_space<hbm>> -> memref<2x128x128xf32, #tpu.memory_space<hbm>>
    tpu.enqueue_dma source(%arg7 : memref<2x128x128xf32, #tpu.memory_space<vmem>>) target(%dma_start3A_316 : memref<2x128x128xf32, #tpu.memory_space<hbm>>) target_semaphore(%arg10 : memref<!tpu.dma_semaphore, #tpu.memory_space<semaphore_mem>>)
    %dma_wait3A_317 = arith.constant 0 : i32
    %dma_wait3A_318 = arith.constant 0 : i32
    %dma_wait3A_319 = tpu.memref_slice %arg4[%dma_wait3A_317, %mul3A_2, %dma_wait3A_318] : memref<50x4096x128xf32, #tpu.memory_space<hbm>> -> memref<2x128x128xf32, #tpu.memory_space<hbm>>
    %dma_wait3A_320 = arith.constant 0 : i32
    %dma_wait3A_321 = arith.constant 0 : i32
    %dma_wait3A_322 = tpu.memref_slice %arg4[%dma_wait3A_320, %mul3A_2, %dma_wait3A_321] : memref<50x4096x128xf32, #tpu.memory_space<hbm>> -> memref<2x128x128xf32, #tpu.memory_space<hbm>>
    tpu.wait_dma2 semaphore(%arg10 : memref<!tpu.dma_semaphore, #tpu.memory_space<semaphore_mem>>) src(%arg6 : memref<2x128x128xf32, #tpu.memory_space<vmem>>) dst(%dma_wait3A_322 : memref<2x128x128xf32, #tpu.memory_space<hbm>>)
    %dma_start3A_323 = arith.constant 48 : i32
    %dma_start3A_324 = arith.constant 0 : i32
    %dma_start3A_325 = arith.constant 0 : i32
    %dma_start3A_326 = arith.constant 0 : i32
    %dma_start3A_327 = tpu.memref_slice %arg6[%dma_start3A_324, %dma_start3A_325, %dma_start3A_326] : memref<2x128x128xf32, #tpu.memory_space<vmem>> -> memref<1x128x128xf32, #tpu.memory_space<vmem>>
    %dma_start3A_328 = tpu.memref_squeeze %dma_start3A_327 : memref<1x128x128xf32, #tpu.memory_space<vmem>> -> memref<128x128xf32, #tpu.memory_space<vmem>>
    %dma_start3A_329 = arith.constant 0 : i32
    %dma_start3A_330 = tpu.memref_slice %arg5[%dma_start3A_323, %dma_start3A_329] : memref<50x128xi32, #tpu.memory_space<vmem>> -> memref<1x128xi32, #tpu.memory_space<vmem>>
    %dma_start3A_331 = tpu.memref_squeeze %dma_start3A_330 : memref<1x128xi32, #tpu.memory_space<vmem>> -> memref<128xi32, #tpu.memory_space<vmem>>
    %dma_start3A_332 = arith.constant 0 : i32
    %dma_start3A_333 = arith.constant 0 : i32
    %dma_start3A_334 = tpu.memref_slice %arg2[%dma_start3A_332, %dma_start3A_333] : memref<100001x128xf32, #tpu.memory_space<hbm>> -> memref<100001x128xf32, #tpu.memory_space<hbm>>
    tpu.enqueue_indirect_dma source(%dma_start3A_334 : memref<100001x128xf32, #tpu.memory_space<hbm>>) target(%dma_start3A_328 : memref<128x128xf32, #tpu.memory_space<vmem>>) offsets(%dma_start3A_331 : memref<128xi32, #tpu.memory_space<vmem>>) semaphore(%arg9 : memref<!tpu.dma_semaphore, #tpu.memory_space<semaphore_mem>>)
    %dma_start3A_335 = arith.constant 49 : i32
    %dma_start3A_336 = arith.constant 1 : i32
    %dma_start3A_337 = arith.constant 0 : i32
    %dma_start3A_338 = arith.constant 0 : i32
    %dma_start3A_339 = tpu.memref_slice %arg6[%dma_start3A_336, %dma_start3A_337, %dma_start3A_338] : memref<2x128x128xf32, #tpu.memory_space<vmem>> -> memref<1x128x128xf32, #tpu.memory_space<vmem>>
    %dma_start3A_340 = tpu.memref_squeeze %dma_start3A_339 : memref<1x128x128xf32, #tpu.memory_space<vmem>> -> memref<128x128xf32, #tpu.memory_space<vmem>>
    %dma_start3A_341 = arith.constant 0 : i32
    %dma_start3A_342 = tpu.memref_slice %arg5[%dma_start3A_335, %dma_start3A_341] : memref<50x128xi32, #tpu.memory_space<vmem>> -> memref<1x128xi32, #tpu.memory_space<vmem>>
    %dma_start3A_343 = tpu.memref_squeeze %dma_start3A_342 : memref<1x128xi32, #tpu.memory_space<vmem>> -> memref<128xi32, #tpu.memory_space<vmem>>
    %dma_start3A_344 = arith.constant 0 : i32
    %dma_start3A_345 = arith.constant 0 : i32
    %dma_start3A_346 = tpu.memref_slice %arg2[%dma_start3A_344, %dma_start3A_345] : memref<100001x128xf32, #tpu.memory_space<hbm>> -> memref<100001x128xf32, #tpu.memory_space<hbm>>
    tpu.enqueue_indirect_dma source(%dma_start3A_346 : memref<100001x128xf32, #tpu.memory_space<hbm>>) target(%dma_start3A_340 : memref<128x128xf32, #tpu.memory_space<vmem>>) offsets(%dma_start3A_343 : memref<128xi32, #tpu.memory_space<vmem>>) semaphore(%arg9 : memref<!tpu.dma_semaphore, #tpu.memory_space<semaphore_mem>>)
    %dma_wait3A_347 = arith.constant 0 : i32
    %dma_wait3A_348 = arith.constant 0 : i32
    %dma_wait3A_349 = arith.constant 0 : i32
    %dma_wait3A_350 = arith.constant 0 : i32
    %dma_wait3A_351 = tpu.memref_slice %arg8[%dma_wait3A_348, %dma_wait3A_349, %dma_wait3A_350] : memref<2x128x128xf32, #tpu.memory_space<vmem>> -> memref<1x128x128xf32, #tpu.memory_space<vmem>>
    %dma_wait3A_352 = tpu.memref_squeeze %dma_wait3A_351 : memref<1x128x128xf32, #tpu.memory_space<vmem>> -> memref<128x128xf32, #tpu.memory_space<vmem>>
    %dma_wait3A_353 = arith.constant 0 : i32
    %dma_wait3A_354 = tpu.memref_slice %arg5[%dma_wait3A_347, %dma_wait3A_353] : memref<50x128xi32, #tpu.memory_space<vmem>> -> memref<1x128xi32, #tpu.memory_space<vmem>>
    %dma_wait3A_355 = tpu.memref_squeeze %dma_wait3A_354 : memref<1x128xi32, #tpu.memory_space<vmem>> -> memref<128xi32, #tpu.memory_space<vmem>>
    %dma_wait3A_356 = arith.constant 0 : i32
    %dma_wait3A_357 = arith.constant 0 : i32
    %dma_wait3A_358 = tpu.memref_slice %arg2[%dma_wait3A_356, %dma_wait3A_357] : memref<100001x128xf32, #tpu.memory_space<hbm>> -> memref<100001x128xf32, #tpu.memory_space<hbm>>
    tpu.wait_indirect_dma semaphore(%arg9 : memref<!tpu.dma_semaphore, #tpu.memory_space<semaphore_mem>>) src(%dma_wait3A_358 : memref<100001x128xf32, #tpu.memory_space<hbm>>) dst(%dma_wait3A_352 : memref<128x128xf32, #tpu.memory_space<vmem>>)
    %dma_wait3A_359 = arith.constant 0 : i32
    %dma_wait3A_360 = arith.constant 1 : i32
    %dma_wait3A_361 = arith.constant 0 : i32
    %dma_wait3A_362 = arith.constant 0 : i32
    %dma_wait3A_363 = tpu.memref_slice %arg8[%dma_wait3A_360, %dma_wait3A_361, %dma_wait3A_362] : memref<2x128x128xf32, #tpu.memory_space<vmem>> -> memref<1x128x128xf32, #tpu.memory_space<vmem>>
    %dma_wait3A_364 = tpu.memref_squeeze %dma_wait3A_363 : memref<1x128x128xf32, #tpu.memory_space<vmem>> -> memref<128x128xf32, #tpu.memory_space<vmem>>
    %dma_wait3A_365 = arith.constant 0 : i32
    %dma_wait3A_366 = tpu.memref_slice %arg5[%dma_wait3A_359, %dma_wait3A_365] : memref<50x128xi32, #tpu.memory_space<vmem>> -> memref<1x128xi32, #tpu.memory_space<vmem>>
    %dma_wait3A_367 = tpu.memref_squeeze %dma_wait3A_366 : memref<1x128xi32, #tpu.memory_space<vmem>> -> memref<128xi32, #tpu.memory_space<vmem>>
    %dma_wait3A_368 = arith.constant 0 : i32
    %dma_wait3A_369 = arith.constant 0 : i32
    %dma_wait3A_370 = tpu.memref_slice %arg2[%dma_wait3A_368, %dma_wait3A_369] : memref<100001x128xf32, #tpu.memory_space<hbm>> -> memref<100001x128xf32, #tpu.memory_space<hbm>>
    tpu.wait_indirect_dma semaphore(%arg9 : memref<!tpu.dma_semaphore, #tpu.memory_space<semaphore_mem>>) src(%dma_wait3A_370 : memref<100001x128xf32, #tpu.memory_space<hbm>>) dst(%dma_wait3A_364 : memref<128x128xf32, #tpu.memory_space<vmem>>)
    %dma_start3A_371 = arith.constant 46 : i32
    %dma_start3A_372 = arith.constant 0 : i32
    %dma_start3A_373 = tpu.memref_slice %arg4[%dma_start3A_371, %mul3A_2, %dma_start3A_372] : memref<50x4096x128xf32, #tpu.memory_space<hbm>> -> memref<2x128x128xf32, #tpu.memory_space<hbm>>
    %dma_start3A_374 = arith.constant 46 : i32
    %dma_start3A_375 = arith.constant 0 : i32
    %dma_start3A_376 = tpu.memref_slice %arg4[%dma_start3A_374, %mul3A_2, %dma_start3A_375] : memref<50x4096x128xf32, #tpu.memory_space<hbm>> -> memref<2x128x128xf32, #tpu.memory_space<hbm>>
    tpu.enqueue_dma source(%arg8 : memref<2x128x128xf32, #tpu.memory_space<vmem>>) target(%dma_start3A_376 : memref<2x128x128xf32, #tpu.memory_space<hbm>>) target_semaphore(%arg10 : memref<!tpu.dma_semaphore, #tpu.memory_space<semaphore_mem>>)
    %dma_wait3A_377 = arith.constant 0 : i32
    %dma_wait3A_378 = arith.constant 0 : i32
    %dma_wait3A_379 = arith.constant 0 : i32
    %dma_wait3A_380 = arith.constant 0 : i32
    %dma_wait3A_381 = tpu.memref_slice %arg6[%dma_wait3A_378, %dma_wait3A_379, %dma_wait3A_380] : memref<2x128x128xf32, #tpu.memory_space<vmem>> -> memref<1x128x128xf32, #tpu.memory_space<vmem>>
    %dma_wait3A_382 = tpu.memref_squeeze %dma_wait3A_381 : memref<1x128x128xf32, #tpu.memory_space<vmem>> -> memref<128x128xf32, #tpu.memory_space<vmem>>
    %dma_wait3A_383 = arith.constant 0 : i32
    %dma_wait3A_384 = tpu.memref_slice %arg5[%dma_wait3A_377, %dma_wait3A_383] : memref<50x128xi32, #tpu.memory_space<vmem>> -> memref<1x128xi32, #tpu.memory_space<vmem>>
    %dma_wait3A_385 = tpu.memref_squeeze %dma_wait3A_384 : memref<1x128xi32, #tpu.memory_space<vmem>> -> memref<128xi32, #tpu.memory_space<vmem>>
    %dma_wait3A_386 = arith.constant 0 : i32
    %dma_wait3A_387 = arith.constant 0 : i32
    %dma_wait3A_388 = tpu.memref_slice %arg2[%dma_wait3A_386, %dma_wait3A_387] : memref<100001x128xf32, #tpu.memory_space<hbm>> -> memref<100001x128xf32, #tpu.memory_space<hbm>>
    tpu.wait_indirect_dma semaphore(%arg9 : memref<!tpu.dma_semaphore, #tpu.memory_space<semaphore_mem>>) src(%dma_wait3A_388 : memref<100001x128xf32, #tpu.memory_space<hbm>>) dst(%dma_wait3A_382 : memref<128x128xf32, #tpu.memory_space<vmem>>)
    %dma_wait3A_389 = arith.constant 0 : i32
    %dma_wait3A_390 = arith.constant 1 : i32
    %dma_wait3A_391 = arith.constant 0 : i32
    %dma_wait3A_392 = arith.constant 0 : i32
    %dma_wait3A_393 = tpu.memref_slice %arg6[%dma_wait3A_390, %dma_wait3A_391, %dma_wait3A_392] : memref<2x128x128xf32, #tpu.memory_space<vmem>> -> memref<1x128x128xf32, #tpu.memory_space<vmem>>
    %dma_wait3A_394 = tpu.memref_squeeze %dma_wait3A_393 : memref<1x128x128xf32, #tpu.memory_space<vmem>> -> memref<128x128xf32, #tpu.memory_space<vmem>>
    %dma_wait3A_395 = arith.constant 0 : i32
    %dma_wait3A_396 = tpu.memref_slice %arg5[%dma_wait3A_389, %dma_wait3A_395] : memref<50x128xi32, #tpu.memory_space<vmem>> -> memref<1x128xi32, #tpu.memory_space<vmem>>
    %dma_wait3A_397 = tpu.memref_squeeze %dma_wait3A_396 : memref<1x128xi32, #tpu.memory_space<vmem>> -> memref<128xi32, #tpu.memory_space<vmem>>
    %dma_wait3A_398 = arith.constant 0 : i32
    %dma_wait3A_399 = arith.constant 0 : i32
    %dma_wait3A_400 = tpu.memref_slice %arg2[%dma_wait3A_398, %dma_wait3A_399] : memref<100001x128xf32, #tpu.memory_space<hbm>> -> memref<100001x128xf32, #tpu.memory_space<hbm>>
    tpu.wait_indirect_dma semaphore(%arg9 : memref<!tpu.dma_semaphore, #tpu.memory_space<semaphore_mem>>) src(%dma_wait3A_400 : memref<100001x128xf32, #tpu.memory_space<hbm>>) dst(%dma_wait3A_394 : memref<128x128xf32, #tpu.memory_space<vmem>>)
    %dma_start3A_401 = arith.constant 48 : i32
    %dma_start3A_402 = arith.constant 0 : i32
    %dma_start3A_403 = tpu.memref_slice %arg4[%dma_start3A_401, %mul3A_2, %dma_start3A_402] : memref<50x4096x128xf32, #tpu.memory_space<hbm>> -> memref<2x128x128xf32, #tpu.memory_space<hbm>>
    %dma_start3A_404 = arith.constant 48 : i32
    %dma_start3A_405 = arith.constant 0 : i32
    %dma_start3A_406 = tpu.memref_slice %arg4[%dma_start3A_404, %mul3A_2, %dma_start3A_405] : memref<50x4096x128xf32, #tpu.memory_space<hbm>> -> memref<2x128x128xf32, #tpu.memory_space<hbm>>
    tpu.enqueue_dma source(%arg6 : memref<2x128x128xf32, #tpu.memory_space<vmem>>) target(%dma_start3A_406 : memref<2x128x128xf32, #tpu.memory_space<hbm>>) target_semaphore(%arg10 : memref<!tpu.dma_semaphore, #tpu.memory_space<semaphore_mem>>)
    %dma_wait3A_407 = arith.constant 0 : i32
    %dma_wait3A_408 = arith.constant 0 : i32
    %dma_wait3A_409 = tpu.memref_slice %arg4[%dma_wait3A_407, %mul3A_2, %dma_wait3A_408] : memref<50x4096x128xf32, #tpu.memory_space<hbm>> -> memref<2x128x128xf32, #tpu.memory_space<hbm>>
    %dma_wait3A_410 = arith.constant 0 : i32
    %dma_wait3A_411 = arith.constant 0 : i32
    %dma_wait3A_412 = tpu.memref_slice %arg4[%dma_wait3A_410, %mul3A_2, %dma_wait3A_411] : memref<50x4096x128xf32, #tpu.memory_space<hbm>> -> memref<2x128x128xf32, #tpu.memory_space<hbm>>
    tpu.wait_dma2 semaphore(%arg10 : memref<!tpu.dma_semaphore, #tpu.memory_space<semaphore_mem>>) src(%arg6 : memref<2x128x128xf32, #tpu.memory_space<vmem>>) dst(%dma_wait3A_412 : memref<2x128x128xf32, #tpu.memory_space<hbm>>)
    %dma_wait3A_413 = arith.constant 0 : i32
    %dma_wait3A_414 = arith.constant 0 : i32
    %dma_wait3A_415 = tpu.memref_slice %arg4[%dma_wait3A_413, %mul3A_2, %dma_wait3A_414] : memref<50x4096x128xf32, #tpu.memory_space<hbm>> -> memref<2x128x128xf32, #tpu.memory_space<hbm>>
    %dma_wait3A_416 = arith.constant 0 : i32
    %dma_wait3A_417 = arith.constant 0 : i32
    %dma_wait3A_418 = tpu.memref_slice %arg4[%dma_wait3A_416, %mul3A_2, %dma_wait3A_417] : memref<50x4096x128xf32, #tpu.memory_space<hbm>> -> memref<2x128x128xf32, #tpu.memory_space<hbm>>
    tpu.wait_dma2 semaphore(%arg10 : memref<!tpu.dma_semaphore, #tpu.memory_space<semaphore_mem>>) src(%arg7 : memref<2x128x128xf32, #tpu.memory_space<vmem>>) dst(%dma_wait3A_418 : memref<2x128x128xf32, #tpu.memory_space<hbm>>)
    %dma_wait3A_419 = arith.constant 0 : i32
    %dma_wait3A_420 = arith.constant 0 : i32
    %dma_wait3A_421 = tpu.memref_slice %arg4[%dma_wait3A_419, %mul3A_2, %dma_wait3A_420] : memref<50x4096x128xf32, #tpu.memory_space<hbm>> -> memref<2x128x128xf32, #tpu.memory_space<hbm>>
    %dma_wait3A_422 = arith.constant 0 : i32
    %dma_wait3A_423 = arith.constant 0 : i32
    %dma_wait3A_424 = tpu.memref_slice %arg4[%dma_wait3A_422, %mul3A_2, %dma_wait3A_423] : memref<50x4096x128xf32, #tpu.memory_space<hbm>> -> memref<2x128x128xf32, #tpu.memory_space<hbm>>
    tpu.wait_dma2 semaphore(%arg10 : memref<!tpu.dma_semaphore, #tpu.memory_space<semaphore_mem>>) src(%arg8 : memref<2x128x128xf32, #tpu.memory_space<vmem>>) dst(%dma_wait3A_424 : memref<2x128x128xf32, #tpu.memory_space<hbm>>)
    return
  }
}

</mosaic_0001>

<sc_bundles>
// kernel: kernel.3.cloned.1.call-start
scs
__scs_entry_jumppad:
0x0: {  	(pc) =	sbr.rel $0x88, $3  }
0x1: {  	(tag) =	ssettag $0x0;
	lr =	simm.s32 $0x1  }
0x2: {  	[smem:$0x3F9F] =	sst lr;
	_ =	strace $0xD0000000  }
0x3: {  	_ = 	snop  }
0x4: {  	_ = 	snop  }
0x5: {  	_ = 	snop  }
0x6: {  	_ = 	snop  }
0x7: {  	_ = 	snop  }
__scs_overlays_trampoline_lowered:
0x8: {  	[smem:$0x3FAE] =	sst s0  }
0x9: {  	[smem:$0x3FAF] =	sst s1  }
0xa: {  	[smem:$0x3FB0] =	sst s2  }
0xb: {  	[smem:$0x3FB1] =	sst s3  }
0xc: {  	[smem:$0x3FB2] =	sst s4  }
0xd: {  	[smem:$0x3FB3] =	sst s5  }
0xe: {  	[smem:$0x3FB4] =	sst s6  }
0xf: {  	[smem:$0x3FB5] =	sst s7  }
0x10: {  	[smem:$0x3FB6] =	sst s8  }
0x11: {  	[smem:$0x3FB7] =	sst s9;
	s0 =	simm.s32 @!p0 $0x0  }
0x12: {  	s1 =	sld [smem:$0x3F9D];
	s0 =	simm.s32 @p0 $0x1  }
0x13: {  	[smem:$0x3FB8] =	sst s0;
	s0 =	simm.s32 @!p1 $0x0  }
0x14: {  	s2 =	sld [smem:$0x3F9C];
	s0 =	simm.s32 @p1 $0x1  }
0x15: {  	[smem:$0x3FB9] =	sst s0;
	s0 =	simm.s32 @!p2 $0x0  }
0x16: {  	s3 =	sld [smem:$0x3FDB];
	s0 =	simm.s32 @p2 $0x1  }
0x17: {  	s4 =	simm.s32 $0x1BF5;
	[smem:$0x3FBB] =	sst s0  }
0x18: {  	s0 =	sld [smem:$0x3F9E];
	_ =	swait.ge [sflag:s4], $0x0  }
0x19: {  	s7 =	sld [smem:$0x3F9F]  }
0x1a: {  	s8 =	sadd.s32 $0xFFFFE003, lr  }
0x1b: {  	s9 =	sadd.s32 $0xFFFFFEF7, lr;
	s5 =	simm.s32 $0xFFFFFFFF;
	p2 =	slt.u32 s8, $0xFFFFF086  }
0x1c: {  	p1 =	slt.u32 s9, $0xF7A;
	s5 =	simm.s32 @!p2 $0x0  }
0x1d: {  	s5 =	simm.s32 @p1 $0x1;
	p0 =	seq.s32 s7, s2  }
0x1e: {  	s7 =	smul.u32 @!p0 $0xF7A, s2;
	p2 =	seq.s32 @!p0 s5, $0x0  }
0x1f: {  	s9 =	smul.u32 $0xF7A, s1;
	s8 =	simm.s32 @!p0 $0x1BF5;
	p2 =	por !p2, p0  }
0x20: {  	[sflag:s8] =	ssyncset.s32 @!p0 $0xFFFFF086;
	s6 =	sadd.s32 @!p0 s3, s7;
	s7 =	simm.s32 @!p0 $0x108  }
0x21: {  	s3 =	sadd.s32 s3, s9;
	s6 =	sadd.s32 @!p0 $0x88, s6;
	s7 =	simm.s32 @p2 $0x1082  }
0x22: {  	[simem:s7], [sflag:s8] =	dma.local @!p0 [hbm:s6], $0xF7A  }
0x23: {  	s9 =	sor.u32 $0xD0000000, s2;
	s6 =	simm.s32 $0x108;
	_ =	swait.ge @!p0 [sflag:s8], $0x0  }
0x24: {  	s3 =	sadd.s32 $0x88, s3;
	s6 =	simm.s32 @!p1 $0x1082;
	[sflag:s4] =	ssyncset.s32 $0xFFFFF086  }
0x25: {  	[simem:s6], [sflag:s4] =	dma.local [hbm:s3], $0xF7A  }
0x26: {  	[smem:$0x3F9F] =	sst s1;
	(tag) =	ssettag s2;
	_ =	strace s9  }
0x27: {  	s1 =	sld [smem:$0x3FAF]  }
0x28: {  	s2 =	sld [smem:$0x3FB0]  }
0x29: {  	s4 =	sld [smem:$0x3FB2]  }
0x2a: {  	p0 =	seq.s32 s5, $0x0;
	s5 =	sld [smem:$0x3FB3]  }
0x2b: {  	s6 =	sld [smem:$0x3FB4]  }
0x2c: {  	s7 =	sld [smem:$0x3FB5]  }
0x2d: {  	s3 =	simm.s32 $0x108;
	s8 =	sld [smem:$0x3FB6]  }
0x2e: {  	s3 =	simm.s32 @!p0 $0x1082;
	s9 =	sld [smem:$0x3FB7]  }
0x2f: {  	lr =	sadd.s32 s0, s3;
	s0 =	sld [smem:$0x3FAE]  }
0x30: {  	s3 =	sld [smem:$0x3FB1]  }
0x31: {  	[smem:$0x3FBA] =	sst s10  }
0x32: {  	s10 =	sld [smem:$0x3FB8];
	_ =	sdelay $0x3  }
0x33: {  	p0 =	seq.s32 s10, $0x1;
	s10 =	sld [smem:$0x3FBA];
	_ =	sdelay $0x3  }
0x34: {  	[smem:$0x3FBA] =	sst s10  }
0x35: {  	s10 =	sld [smem:$0x3FB9];
	_ =	sdelay $0x3  }
0x36: {  	p1 =	seq.s32 s10, $0x1;
	s10 =	sld [smem:$0x3FBA];
	_ =	sdelay $0x3  }
0x37: {  	[smem:$0x3FBA] =	sst s10  }
0x38: {  	s10 =	sld [smem:$0x3FBB]  }
0x39: {  	_ = 	snop;
	(pc) =	sbr.ind lr, $3  }
0x3a: {  	_ = 	snop  }
0x3b: {  	_ = 	snop  }
0x3c: {  	p2 =	seq.s32 s10, $0x1;
	s10 =	sld [smem:$0x3FBA]  }
0x3d: {  	_ =	shalt  }
0x3e: {  	_ =	shalt  }
0x3f: {  	_ =	shalt  }
0x40: {  	_ =	shalt  }
0x41: {  	_ =	shalt  }
0x42: {  	_ =	shalt  }
0x43: {  	_ =	shalt  }
0x44: {  	_ =	shalt  }
0x45: {  	_ =	shalt  }
0x46: {  	_ =	shalt  }
0x47: {  	_ =	shalt  }
0x48: {  	_ =	shalt  }
0x49: {  	_ =	shalt  }
0x4a: {  	_ =	shalt  }
0x4b: {  	_ =	shalt  }
0x4c: {  	_ =	shalt  }
0x4d: {  	_ =	shalt  }
0x4e: {  	_ =	shalt  }
0x4f: {  	_ =	shalt  }
0x50: {  	_ =	shalt  }
0x51: {  	_ =	shalt  }
0x52: {  	_ =	shalt  }
0x53: {  	_ =	shalt  }
0x54: {  	_ =	shalt  }
0x55: {  	_ =	shalt  }
0x56: {  	_ =	shalt  }
0x57: {  	_ =	shalt  }
0x58: {  	_ =	shalt  }
0x59: {  	_ =	shalt  }
0x5a: {  	_ =	shalt  }
0x5b: {  	_ =	shalt  }
0x5c: {  	_ =	shalt  }
0x5d: {  	_ =	shalt  }
0x5e: {  	_ =	shalt  }
0x5f: {  	_ =	shalt  }
0x60: {  	_ =	shalt  }
0x61: {  	_ =	shalt  }
0x62: {  	_ =	shalt  }
0x63: {  	_ =	shalt  }
0x64: {  	_ =	shalt  }
0x65: {  	_ =	shalt  }
0x66: {  	_ =	shalt  }
0x67: {  	_ =	shalt  }
0x68: {  	_ =	shalt  }
0x69: {  	_ =	shalt  }
0x6a: {  	_ =	shalt  }
0x6b: {  	_ =	shalt  }
0x6c: {  	_ =	shalt  }
0x6d: {  	_ =	shalt  }
0x6e: {  	_ =	shalt  }
0x6f: {  	_ =	shalt  }
0x70: {  	_ =	shalt  }
0x71: {  	_ =	shalt  }
0x72: {  	_ =	shalt  }
0x73: {  	_ =	shalt  }
0x74: {  	_ =	shalt  }
0x75: {  	_ =	shalt  }
0x76: {  	_ =	shalt  }
0x77: {  	_ =	shalt  }
0x78: {  	_ =	shalt  }
0x79: {  	_ =	shalt  }
0x7a: {  	_ =	shalt  }
0x7b: {  	_ =	shalt  }
0x7c: {  	_ =	shalt  }
0x7d: {  	_ =	shalt  }
0x7e: {  	_ =	shalt  }
0x7f: {  	_ =	shalt  }
0x80: {  	_ =	shalt  }
0x81: {  	_ =	shalt  }
0x82: {  	_ =	shalt  }
0x83: {  	_ =	shalt  }
0x84: {  	_ =	shalt  }
0x85: {  	_ =	shalt  }
0x86: {  	_ =	shalt  }
0x87: {  	_ =	shalt  }
.Lfunc_end0:
.L_simem_size_0:
called_computation_lowered:
.L_overlay_start_0:
0x88: {  	s2 =	sld [smem:$0x3FD9]  }
0x89: {  	s3 =	sld [smem:$0x3FFE];
	_ =	sdelay $0x1  }
0x8a: {  	s1 =	srdreg.scid  }
0x8b: {  	s0 =	sand.u32 $0x1, s1  }
0x8c: {  	s18 =	sshll.u32 s0, $0xA;
	s2 =	sadd.s32 s3, s2  }
0x8d: {  	s2 =	sadd.s32 s2, s18  }
0x8e: {  	[smem:$0x3FC6] =	sst s2  }
0x8f: {  	_ = 	snop  }
0x90: {  	s2 =	sld [smem:$0x3FC9]  }
0x91: {  	s19 =	sld [smem:$0x3FC8]  }
0x92: {  	s4 =	sld [smem:$0x3FD0];
	(tm) =	ssettm $0x1  }
0x93: {  	s5 =	sld [smem:$0x3FFB];
	_ =	sdelay $0x3  }
0x94: {  	_ =	strace s5  }
0x95: {  	s5 =	sld [smem:$0x3FFC];
	_ =	sdelay $0x3  }
0x96: {  	_ =	strace s5  }
0x97: {  	s5 =	sld [smem:$0x3FFD];
	_ =	sdelay $0x3  }
0x98: {  	_ =	strace s5  }
0x99: {  	_ =	strace $0x8FFFFFFF  }
0x9a: {  	s20 =	sld [smem:$0x3FDB];
	_ =	sdelay $0x1  }
0x9b: {  	s6 =	simm.s32 $_scs_section_size  }
0x9c: {  	s7 =	simm.s32 $_size__tile_overlayer_lowered;
	s8 =	simm.s32 $_tile_overlayer_lowered  }
0x9d: {  	s23 =	simm.s32 $0x1BFF;
	s22 =	sshll.u32 s8, $0x1;
	s5 =	sadd.s32 s6, s20  }
0x9e: {  	s9 =	simm.s32 $0x0;
	s21 =	sshll.u32 s7, $0x1;
	s7 =	sadd.s32 s22, s5  }
0x9f: {  	[timem:s9], [sflag:s23] =	dma.local [hbm:s7], s21  }
0xa0: {  	_ =	swait.ge [sflag:s23], s21  }
0xa1: {  	s6 =	ssub.s32 $0x0, s21;
	[sflag:s23] =	ssyncset.done $0x0  }
0xa2: {  	[sflag:s23] =	ssyncadd.s32 s6;
	_ =	sdelay $0x1  }
0xa3: {  	s24 =	simm.s32 $0x1B8B  }
0xa4: {  	_ =	swait.ge [sflag:s24], $0x1  }
0xa5: {  	[sflag:s24] =	ssyncset.done $0x0  }
0xa6: {  	s25 =	simm.s32 $0x1B8E;
	[sflag:s24] =	ssyncadd.s32 $0xFFFFFFFF  }
0xa7: {  	s26 =	simm.s32 $execute0_lowered;
	[smem:$0x3FD2] =	sst s25  }
0xa8: {  	s6 =	sshll.u32 s26, $0x1;
	_ =	strace $0x80000046;
	[dreg:$0x1] =	wrdreg $0xFFFFFFFF  }
0xa9: {  	s28 =	simm.s32 $_size_execute0_lowered;
	s5 =	sadd.s32 s5, s6;
	[dreg:$0x0] =	wrdreg $0x0  }
0xaa: {  	s6 =	sshll.u32 s28, $0x1;
	[dreg:$0x2] =	wrdreg s5  }
0xab: {  	[dreg:$0x3] =	wrdreg s6  }
0xac: {  	[dreg:$0x4] =	wrdreg $0xC0  }
0xad: {  	_ =	task [dreg:s9], $0x5FFFF  }
0xae: {  	[dreg:$0x1] =	wrdreg $0xFFFFFFFF  }
0xaf: {  	[dreg:$0x0] =	wrdreg $0x60  }
0xb0: {  	[dreg:$0x2] =	wrdreg s19  }
0xb1: {  	[dreg:$0x3] =	wrdreg s2  }
0xb2: {  	[dreg:$0x4] =	wrdreg s4  }
0xb3: {  	[dreg:$0x5] =	wrdreg $0x9  }
0xb4: {  	_ =	task.clear_ibuf [dreg:s9], $0x6FFFF;
	_ =	strace $0x90000046  }
0xb5: {  	s29 =	simm.s32 $0x9;
	_ =	strace $0x80000048  }
0xb6: {  	_ =	swait.ge [sflag:s29], $0x1  }
0xb7: {  	[sflag:s29] =	ssyncadd.s32 $0xFFFFFFFF  }
0xb8: {  	_ =	strace $0x90000048  }
0xb9: {  	_ =	sfence  }
0xba: {  	s30 =	sld [smem:$0x0];
	_ =	sdelay $0x2  }
0xbb: {  	s31 =	sshll.u32 s1, $0xD;
	s1 =	sshrl.u32 s1, $0x2  }
0xbc: {  	s3 =	sand.u32 $0x4000, s31;
	s1 =	sadd.s32 s1, s30  }
0xbd: {  	s0 =	sor.u32 s3, s0;
	s1 =	sshll.u32 s1, $0x11  }
0xbe: {  	s0 =	sor.u32 s1, s0  }
0xbf: {  	s0 =	sadd.s32 $0x8F2B, s0  }
0xc0: {  	[sflag:s0] =	ssyncadd.remote.s32 $0x1  }
0xc1: {  	_ =	sfence.sel $0xFFFF  }
0xc2: {  	[dreg:$0x0] =	wrdreg $0xFFFFFFFF;
	(pc) =	sbr.abs _section_cstart, $3  }
0xc3: {  	[dreg:$0x1] =	wrdreg $0xFFFFFFFF  }
0xc4: {  	_ =	task.clear_ibuf [dreg:s9], $0x2FFFF;
	_ =	strace $0x9FFFFFFF  }
0xc5: {  	(tm) =	ssettm $0x7FFFFFFF  }
tec
execute0_lowered:
.L_overlay_start_1:
0x0: {  	(tag) =	ssettag $0x1  }
0x1: {  	s1 =	rddreg [dreg:$0x0]  }
0x2: {  	s0 =	rddreg [dreg:$0x1]  }
0x3: {  	s3 =	rddreg [dreg:$0x2]  }
0x4: {  	s2 =	srdreg.scid;
	s9 =	stileid.u32;
	s4 =	simm.s32 $0x0  }
0x5: {  	s18 =	simm.s32 $0x400;
	s29 =	simm.s32 $0xDC00;
	s30 =	simm.s32 $0x1  }
0x6: {  	s31 =	simm.s32 $0x4000;
	s19 =	simm.s32 $0x11C00;
	s28 =	simm.s32 $0x15C00  }
0x7: {  	s2 =	sand.u32 $0x1, s2;
	s5 =	sshll.u32 s9, $0x8;
	[smem:$0x7FF] =	sst s4  }
0x8: {  	s23 =	sshll.u32 s9, $0xF;
	s6 =	sshll.u32 s2, $0x7;
	_ =	strace $0x80000047  }
0x9: {  	s7 =	ssub.s32 $0x2, s2;
	s2 =	sshll.u32 s2, $0xE;
	s5 =	sor.u32 s6, s5  }
0xa: {  	s8 =	sshrl.u32 s7, $0x1;
	s2 =	sor.u32 s2, s23;
	s23 =	simm.s32 $0x1C00  }
0xb: {  	s6 =	sshll.u32 s5, $0x4;
	s5 =	sadd.s32 s0, s5;
	s20 =	ssub.s32 s7, s8  }
0xc: {  	s7 =	sor.u32 $0x500000, s2;
	s26 =	sor.u32 $0x400000, s2;
	s17 =	sor.u32 $0x300000, s2  }
0xd: {  	s0 =	simm.s32 $0x80000;
	s2 =	simm.s32 $0x2;
	s6 =	sadd.s32 s3, s6  }
0xe: {  	[dreg:$0x4] =	wrdreg s5;
	s5 =	sadd.s32 $0x6000, s5;
	s7 =	sshrl.u32 s7, $0x3  }
0xf: {  	s8 =	sshrl.u32 s26, $0x3;
	s14 =	smax.u32 s20, $0x1;
	s20 =	simm.s32 $0x1800  }
0x10: {  	s26 =	simm.s32 $0x9C00;
	[dreg:$0x5] =	wrdreg s5;
	s21 =	sadd.s32 $0x20000, s6  }
0x11: {  	s22 =	sadd.s32 $0x40000, s6;
	s24 =	sadd.s32 $0x2A0000, s6;
	[dreg:$0x6] =	wrdreg s21  }
0x12: {  	s25 =	sadd.s32 $0x2C0000, s6;
	s12 =	sadd.s32 $0x2E0000, s6;
	[dreg:$0x7] =	wrdreg s22  }
0x13: {  	s13 =	sadd.s32 $0x300000, s6;
	s15 =	sadd.s32 s7, s3;
	[dreg:$0x8] =	wrdreg s24  }
0x14: {  	s16 =	sadd.s32 s8, s3;
	[dreg:$0x9] =	wrdreg s25;
	s21 =	simm.s32 $0x3  }
0x15: {  	s22 =	simm.s32 $0x80;
	s24 =	simm.s32 $0x5C00;
	s25 =	simm.s32 $0x0  }
.LBB2_1:
0x16: {  	s5 =	rddreg [dreg:$0x4];
	s7 =	simm.s32 $0x8000  }
0x17: {  	[tilespmem:s4], [sflag:$0x3] =	stream.strided.gather [hbm4b:s5+s18], $0x1800, s7, s18, $0x38;
	[tilespmem:$0x19C00] =	vst v63  }
0x18: {  	s11 =	rddreg [dreg:$0x5]  }
0x19: {  	[tilespmem:s20], [sflag:$0x3] =	stream.linear.gather [hbm4b:s11+s4], $0x100, $0x38;
	[tilespmem:$0x19C00] =	vst v63  }
0x1a: {  	_ =	swait.ge [sflag:s21], $0x1900  }
0x1b: {  	[sflag:s21] =	ssyncset.done $0x0  }
0x1c: {  	[sflag:s21] =	ssyncadd.s32 $0xFFFFE700  }
0x1d: {  	[tilespmem:s23], [sflag:$0x1] =	stream.indirect.gather [hbm4b:s1+s22], $0x80, s4, s22, $0xb8;
	[tilespmem:$0x19C00] =	vst v63  }
0x1e: {  	_ = 	snop  }
0x1f: {  	[tilespmem:s24], [sflag:$0x1] =	stream.indirect.gather [hbm4b:s1+s22], $0x80, s22, s22, $0xb8;
	[tilespmem:$0x19C00] =	vst v63  }
0x20: {  	s7 =	simm.s32 $0x100  }
0x21: {  	[tilespmem:s26], [sflag:$0x1] =	stream.indirect.gather [hbm4b:s1+s22], $0x80, s7, s22, $0xb8;
	[tilespmem:$0x19C00] =	vst v63  }
0x22: {  	s8 =	simm.s32 $0x180  }
0x23: {  	[tilespmem:s29], [sflag:$0x1] =	stream.indirect.gather [hbm4b:s1+s22], $0x80, s8, s22, $0xb8;
	[tilespmem:$0x19C00] =	vst v63  }
0x24: {  	_ =	swait.ge [sflag:s30], $0x4000  }
0x25: {  	[sflag:s30] =	ssyncset.done $0x0  }
0x26: {  	[sflag:s30] =	ssyncadd.s32 $0xFFFFC000  }
0x27: {  	_ =	swait.ge [sflag:s30], $0x4000  }
0x28: {  	[sflag:s30] =	ssyncset.done $0x0  }
0x29: {  	[sflag:s30] =	ssyncadd.s32 $0xFFFFC000  }
0x2a: {  	[hbm4b:s6+s31] =	stream.strided.scatter [tilespmem:s23], [sflag:$0x2], $0x8000, s0, s31, $0x38;
	[tilespmem:$0x19C00] =	vst v63  }
0x2b: {  	s9 =	simm.s32 $0x200  }
0x2c: {  	[tilespmem:s19], [sflag:$0x1] =	stream.indirect.gather [hbm4b:s1+s22], $0x80, s9, s22, $0xb8;
	[tilespmem:$0x19C00] =	vst v63  }
0x2d: {  	s10 =	simm.s32 $0x280  }
0x2e: {  	[tilespmem:s28], [sflag:$0x1] =	stream.indirect.gather [hbm4b:s1+s22], $0x80, s10, s22, $0xb8;
	[tilespmem:$0x19C00] =	vst v63  }
0x2f: {  	_ =	swait.ge [sflag:s30], $0x4000  }
0x30: {  	[sflag:s30] =	ssyncset.done $0x0  }
0x31: {  	[sflag:s30] =	ssyncadd.s32 $0xFFFFC000  }
0x32: {  	_ =	swait.ge [sflag:s30], $0x4000  }
0x33: {  	[sflag:s30] =	ssyncset.done $0x0  }
0x34: {  	s11 =	rddreg [dreg:$0x6];
	[sflag:s30] =	ssyncadd.s32 $0xFFFFC000  }
0x35: {  	[hbm4b:s11+s31] =	stream.strided.scatter [tilespmem:s26], [sflag:$0x2], $0x8000, s0, s31, $0x38;
	[tilespmem:$0x19C00] =	vst v63  }
0x36: {  	_ =	swait.ge [sflag:s2], $0x8000  }
0x37: {  	[sflag:s2] =	ssyncset.done $0x0  }
0x38: {  	s7 =	simm.s32 $0x300;
	[sflag:s2] =	ssyncadd.s32 $0xFFFF8000  }
0x39: {  	[tilespmem:s23], [sflag:$0x1] =	stream.indirect.gather [hbm4b:s1+s22], $0x80, s7, s22, $0xb8;
	[tilespmem:$0x19C00] =	vst v63  }
0x3a: {  	s8 =	simm.s32 $0x380  }
0x3b: {  	[tilespmem:s24], [sflag:$0x1] =	stream.indirect.gather [hbm4b:s1+s22], $0x80, s8, s22, $0xb8;
	[tilespmem:$0x19C00] =	vst v63  }
0x3c: {  	_ =	swait.ge [sflag:s30], $0x4000  }
0x3d: {  	[sflag:s30] =	ssyncset.done $0x0  }
0x3e: {  	[sflag:s30] =	ssyncadd.s32 $0xFFFFC000  }
0x3f: {  	_ =	swait.ge [sflag:s30], $0x4000  }
0x40: {  	[sflag:s30] =	ssyncset.done $0x0  }
0x41: {  	s9 =	rddreg [dreg:$0x7];
	[sflag:s30] =	ssyncadd.s32 $0xFFFFC000  }
0x42: {  	[hbm4b:s9+s31] =	stream.strided.scatter [tilespmem:s19], [sflag:$0x2], $0x8000, s0, s31, $0x38;
	[tilespmem:$0x19C00] =	vst v63  }
0x43: {  	_ =	swait.ge [sflag:s2], $0x8000  }
0x44: {  	[sflag:s2] =	ssyncset.done $0x0  }
0x45: {  	[sflag:s2] =	ssyncadd.s32 $0xFFFF8000  }
0x46: {  	[tilespmem:s26], [sflag:$0x1] =	stream.indirect.gather [hbm4b:s1+s22], $0x80, s18, s22, $0xb8;
	[tilespmem:$0x19C00] =	vst v63  }
0x47: {  	s10 =	simm.s32 $0x480  }
0x48: {  	[tilespmem:s29], [sflag:$0x1] =	stream.indirect.gather [hbm4b:s1+s22], $0x80, s10, s22, $0xb8;
	[tilespmem:$0x19C00] =	vst v63  }
0x49: {  	_ =	swait.ge [sflag:s30], $0x4000  }
0x4a: {  	[sflag:s30] =	ssyncset.done $0x0  }
0x4b: {  	[sflag:s30] =	ssyncadd.s32 $0xFFFFC000  }
0x4c: {  	_ =	swait.ge [sflag:s30], $0x4000  }
0x4d: {  	s11 =	sshrl.u32 s17, $0x3;
	[sflag:s30] =	ssyncset.done $0x0  }
0x4e: {  	s7 =	sadd.s32 s3, s11;
	[sflag:s30] =	ssyncadd.s32 $0xFFFFC000  }
0x4f: {  	[hbm4b:s7+s31] =	stream.strided.scatter [tilespmem:s23], [sflag:$0x2], $0x8000, s0, s31, $0x38;
	[tilespmem:$0x19C00] =	vst v63  }
0x50: {  	_ =	swait.ge [sflag:s2], $0x8000  }
0x51: {  	[sflag:s2] =	ssyncset.done $0x0  }
0x52: {  	s5 =	simm.s32 $0x500;
	[sflag:s2] =	ssyncadd.s32 $0xFFFF8000  }
0x53: {  	[tilespmem:s19], [sflag:$0x1] =	stream.indirect.gather [hbm4b:s1+s22], $0x80, s5, s22, $0xb8;
	[tilespmem:$0x19C00] =	vst v63  }
0x54: {  	s8 =	simm.s32 $0x580  }
0x55: {  	[tilespmem:s28], [sflag:$0x1] =	stream.indirect.gather [hbm4b:s1+s22], $0x80, s8, s22, $0xb8;
	[tilespmem:$0x19C00] =	vst v63  }
0x56: {  	_ =	swait.ge [sflag:s30], $0x4000  }
0x57: {  	[sflag:s30] =	ssyncset.done $0x0  }
0x58: {  	[sflag:s30] =	ssyncadd.s32 $0xFFFFC000  }
0x59: {  	_ =	swait.ge [sflag:s30], $0x4000  }
0x5a: {  	[sflag:s30] =	ssyncset.done $0x0  }
0x5b: {  	[sflag:s30] =	ssyncadd.s32 $0xFFFFC000  }
0x5c: {  	[hbm4b:s16+s31] =	stream.strided.scatter [tilespmem:s26], [sflag:$0x2], $0x8000, s0, s31, $0x38;
	[tilespmem:$0x19C00] =	vst v63  }
0x5d: {  	_ =	swait.ge [sflag:s2], $0x8000  }
0x5e: {  	[sflag:s2] =	ssyncset.done $0x0  }
0x5f: {  	s9 =	simm.s32 $0x600;
	[sflag:s2] =	ssyncadd.s32 $0xFFFF8000  }
0x60: {  	[tilespmem:s23], [sflag:$0x1] =	stream.indirect.gather [hbm4b:s1+s22], $0x80, s9, s22, $0xb8;
	[tilespmem:$0x19C00] =	vst v63  }
0x61: {  	s10 =	simm.s32 $0x680  }
0x62: {  	[tilespmem:s24], [sflag:$0x1] =	stream.indirect.gather [hbm4b:s1+s22], $0x80, s10, s22, $0xb8;
	[tilespmem:$0x19C00] =	vst v63  }
0x63: {  	_ =	swait.ge [sflag:s30], $0x4000  }
0x64: {  	[sflag:s30] =	ssyncset.done $0x0  }
0x65: {  	[sflag:s30] =	ssyncadd.s32 $0xFFFFC000  }
0x66: {  	_ =	swait.ge [sflag:s30], $0x4000  }
0x67: {  	[sflag:s30] =	ssyncset.done $0x0  }
0x68: {  	[sflag:s30] =	ssyncadd.s32 $0xFFFFC000  }
0x69: {  	[hbm4b:s15+s31] =	stream.strided.scatter [tilespmem:s19], [sflag:$0x2], $0x8000, s0, s31, $0x38;
	[tilespmem:$0x19C00] =	vst v63  }
0x6a: {  	_ =	swait.ge [sflag:s2], $0x8000  }
0x6b: {  	s11 =	simm.s32 $0x700;
	[sflag:s2] =	ssyncset.done $0x0  }
0x6c: {  	s7 =	simm.s32 $0xC00;
	s8 =	sadd.s32 $0x300000, s17;
	[sflag:s2] =	ssyncadd.s32 $0xFFFF8000  }
0x6d: {  	[tilespmem:s26], [sflag:$0x1] =	stream.indirect.gather [hbm4b:s1+s22], $0x80, s11, s22, $0xb8;
	[tilespmem:$0x19C00] =	vst v63  }
0x6e: {  	s9 =	sadd.s32 $0x60000, s15;
	s10 =	sadd.s32 $0x60000, s16;
	s11 =	simm.s32 $0x780  }
.LBB2_2:
0x6f: {  	[tilespmem:s29], [sflag:$0x1] =	stream.indirect.gather [hbm4b:s1+s22], $0x80, s11, s22, $0xb8;
	[tilespmem:$0x19C00] =	vst v63  }
0x70: {  	s11 =	smov.u32 s7  }
0x71: {  	p0 =	sne.s32 s7, $0x3C00;
	s7 =	sadd.s32 $0xC00, s7;
	_ =	swait.ge [sflag:s30], $0x4000  }
0x72: {  	[sflag:s30] =	ssyncset.done $0x0  }
0x73: {  	[sflag:s30] =	ssyncadd.s32 $0xFFFFC000  }
0x74: {  	_ =	swait.ge [sflag:s30], $0x4000  }
0x75: {  	s5 =	sshrl.u32 s8, $0x3;
	[sflag:s30] =	ssyncset.done $0x0  }
0x76: {  	s5 =	sadd.s32 s3, s5;
	[sflag:s30] =	ssyncadd.s32 $0xFFFFC000  }
0x77: {  	[hbm4b:s5+s31] =	stream.strided.scatter [tilespmem:s23], [sflag:$0x2], $0x8000, s0, s31, $0x38;
	[tilespmem:$0x19C00] =	vst v63  }
0x78: {  	_ =	swait.ge [sflag:s2], $0x8000  }
0x79: {  	s5 =	sshra.s32 s11, $0x2;
	[sflag:s2] =	ssyncset.done $0x0  }
0x7a: {  	s11 =	sadd.s32 $0x500, s5;
	[sflag:s2] =	ssyncadd.s32 $0xFFFF8000  }
0x7b: {  	[tilespmem:s19], [sflag:$0x1] =	stream.indirect.gather [hbm4b:s1+s22], $0x80, s11, s22, $0xb8;
	[tilespmem:$0x19C00] =	vst v63  }
0x7c: {  	s11 =	sadd.s32 $0x580, s5  }
0x7d: {  	[tilespmem:s28], [sflag:$0x1] =	stream.indirect.gather [hbm4b:s1+s22], $0x80, s11, s22, $0xb8;
	[tilespmem:$0x19C00] =	vst v63  }
0x7e: {  	_ =	swait.ge [sflag:s30], $0x4000  }
0x7f: {  	[sflag:s30] =	ssyncset.done $0x0  }
0x80: {  	[sflag:s30] =	ssyncadd.s32 $0xFFFFC000  }
0x81: {  	_ =	swait.ge [sflag:s30], $0x4000  }
0x82: {  	[sflag:s30] =	ssyncset.done $0x0  }
0x83: {  	[sflag:s30] =	ssyncadd.s32 $0xFFFFC000  }
0x84: {  	[hbm4b:s10+s31] =	stream.strided.scatter [tilespmem:s26], [sflag:$0x2], $0x8000, s0, s31, $0x38;
	[tilespmem:$0x19C00] =	vst v63  }
0x85: {  	_ =	swait.ge [sflag:s2], $0x8000  }
0x86: {  	[sflag:s2] =	ssyncset.done $0x0  }
0x87: {  	s11 =	sadd.s32 $0x600, s5;
	[sflag:s2] =	ssyncadd.s32 $0xFFFF8000  }
0x88: {  	[tilespmem:s23], [sflag:$0x1] =	stream.indirect.gather [hbm4b:s1+s22], $0x80, s11, s22, $0xb8;
	[tilespmem:$0x19C00] =	vst v63  }
0x89: {  	s11 =	sadd.s32 $0x680, s5  }
0x8a: {  	[tilespmem:s24], [sflag:$0x1] =	stream.indirect.gather [hbm4b:s1+s22], $0x80, s11, s22, $0xb8;
	[tilespmem:$0x19C00] =	vst v63  }
0x8b: {  	_ =	swait.ge [sflag:s30], $0x4000  }
0x8c: {  	[sflag:s30] =	ssyncset.done $0x0  }
0x8d: {  	[sflag:s30] =	ssyncadd.s32 $0xFFFFC000  }
0x8e: {  	_ =	swait.ge [sflag:s30], $0x4000  }
0x8f: {  	[sflag:s30] =	ssyncset.done $0x0  }
0x90: {  	[sflag:s30] =	ssyncadd.s32 $0xFFFFC000  }
0x91: {  	[hbm4b:s9+s31] =	stream.strided.scatter [tilespmem:s19], [sflag:$0x2], $0x8000, s0, s31, $0x38;
	[tilespmem:$0x19C00] =	vst v63  }
.Ltmp0:
0x92: {  	_ =	swait.ge [sflag:s2], $0x8000;
	(pc) =	sbr.rel @p0 .LBB2_2-.Ltmp0, $4  }
0x93: {  	[sflag:s2] =	ssyncset.done $0x0  }
0x94: {  	s8 =	sadd.s32 $0x300000, s8;
	s11 =	sadd.s32 $0x700, s5;
	[sflag:s2] =	ssyncadd.s32 $0xFFFF8000  }
0x95: {  	[tilespmem:s26], [sflag:$0x1] =	stream.indirect.gather [hbm4b:s1+s22], $0x80, s11, s22, $0xb8;
	[tilespmem:$0x19C00] =	vst v63  }
0x96: {  	s10 =	sadd.s32 $0x60000, s10;
	s9 =	sadd.s32 $0x60000, s9;
	s11 =	sadd.s32 $0x780, s5  }
0x97: {  	[tilespmem:s29], [sflag:$0x1] =	stream.indirect.gather [hbm4b:s1+s22], $0x80, s11, s22, $0xb8;
	[tilespmem:$0x19C00] =	vst v63  }
0x98: {  	_ =	swait.ge [sflag:s30], $0x4000  }
0x99: {  	[sflag:s30] =	ssyncset.done $0x0  }
0x9a: {  	[sflag:s30] =	ssyncadd.s32 $0xFFFFC000  }
0x9b: {  	_ =	swait.ge [sflag:s30], $0x4000  }
0x9c: {  	[sflag:s30] =	ssyncset.done $0x0  }
0x9d: {  	s5 =	rddreg [dreg:$0x8];
	[sflag:s30] =	ssyncadd.s32 $0xFFFFC000  }
0x9e: {  	[hbm4b:s5+s31] =	stream.strided.scatter [tilespmem:s23], [sflag:$0x2], $0x8000, s0, s31, $0x38;
	[tilespmem:$0x19C00] =	vst v63  }
0x9f: {  	_ =	swait.ge [sflag:s2], $0x8000  }
0xa0: {  	[sflag:s2] =	ssyncset.done $0x0  }
0xa1: {  	s8 =	simm.s32 $0x1700;
	[sflag:s2] =	ssyncadd.s32 $0xFFFF8000  }
0xa2: {  	[tilespmem:s19], [sflag:$0x1] =	stream.indirect.gather [hbm4b:s1+s22], $0x80, s8, s22, $0xb8;
	[tilespmem:$0x19C00] =	vst v63  }
0xa3: {  	s9 =	simm.s32 $0x1780  }
0xa4: {  	[tilespmem:s28], [sflag:$0x1] =	stream.indirect.gather [hbm4b:s1+s22], $0x80, s9, s22, $0xb8;
	[tilespmem:$0x19C00] =	vst v63  }
0xa5: {  	_ =	swait.ge [sflag:s30], $0x4000  }
0xa6: {  	[sflag:s30] =	ssyncset.done $0x0  }
0xa7: {  	[sflag:s30] =	ssyncadd.s32 $0xFFFFC000  }
0xa8: {  	_ =	swait.ge [sflag:s30], $0x4000  }
0xa9: {  	[sflag:s30] =	ssyncset.done $0x0  }
0xaa: {  	s10 =	rddreg [dreg:$0x9];
	[sflag:s30] =	ssyncadd.s32 $0xFFFFC000  }
0xab: {  	[hbm4b:s10+s31] =	stream.strided.scatter [tilespmem:s26], [sflag:$0x2], $0x8000, s0, s31, $0x38;
	[tilespmem:$0x19C00] =	vst v63  }
0xac: {  	_ =	swait.ge [sflag:s2], $0x8000  }
0xad: {  	[sflag:s2] =	ssyncset.done $0x0  }
0xae: {  	[sflag:s2] =	ssyncadd.s32 $0xFFFF8000  }
0xaf: {  	[tilespmem:s23], [sflag:$0x1] =	stream.indirect.gather [hbm4b:s1+s22], $0x80, s20, s22, $0xb8;
	[tilespmem:$0x19C00] =	vst v63  }
0xb0: {  	s11 =	simm.s32 $0x1880  }
0xb1: {  	[tilespmem:s24], [sflag:$0x1] =	stream.indirect.gather [hbm4b:s1+s22], $0x80, s11, s22, $0xb8;
	[tilespmem:$0x19C00] =	vst v63  }
0xb2: {  	_ =	swait.ge [sflag:s30], $0x4000  }
0xb3: {  	[sflag:s30] =	ssyncset.done $0x0  }
0xb4: {  	[sflag:s30] =	ssyncadd.s32 $0xFFFFC000  }
0xb5: {  	_ =	swait.ge [sflag:s30], $0x4000  }
0xb6: {  	[sflag:s30] =	ssyncset.done $0x0  }
0xb7: {  	[sflag:s30] =	ssyncadd.s32 $0xFFFFC000  }
0xb8: {  	[hbm4b:s12+s31] =	stream.strided.scatter [tilespmem:s19], [sflag:$0x2], $0x8000, s0, s31, $0x38;
	[tilespmem:$0x19C00] =	vst v63  }
0xb9: {  	_ =	swait.ge [sflag:s30], $0x4000  }
0xba: {  	[sflag:s30] =	ssyncset.done $0x0  }
0xbb: {  	[sflag:s30] =	ssyncadd.s32 $0xFFFFC000  }
0xbc: {  	_ =	swait.ge [sflag:s30], $0x4000  }
0xbd: {  	[sflag:s30] =	ssyncset.done $0x0  }
0xbe: {  	[sflag:s30] =	ssyncadd.s32 $0xFFFFC000  }
0xbf: {  	[hbm4b:s13+s31] =	stream.strided.scatter [tilespmem:s23], [sflag:$0x2], $0x8000, s0, s31, $0x38;
	[tilespmem:$0x19C00] =	vst v63  }
0xc0: {  	_ =	swait.ge [sflag:s2], $0x8000  }
0xc1: {  	[sflag:s2] =	ssyncset.done $0x0  }
0xc2: {  	s25 =	sadd.s32 $0x1, s25;
	[sflag:s2] =	ssyncadd.s32 $0xFFFF8000  }
0xc3: {  	p0 =	sne.s32 s25, s14;
	_ =	swait.ge [sflag:s2], $0x8000  }
.Ltmp1:
0xc4: {  	[sflag:s2] =	ssyncset.done $0x0;
	(pc) =	sbr.rel @p0 .LBB2_1-.Ltmp1, $4  }
0xc5: {  	[sflag:s2] =	ssyncadd.s32 $0xFFFF8000  }
0xc6: {  	_ =	swait.ge [sflag:s2], $0x8000  }
0xc7: {  	[sflag:s2] =	ssyncset.done $0x0  }
0xc8: {  	[sflag:s2] =	ssyncadd.s32 $0xFFFF8000  }
0xc9: {  	_ =	sfence.sel $0x180000  }
0xca: {  	[bflag:$0x0] =	sbarrier.arrive $0xFFFF  }
0xcb: {  	_ =	strace $0x90000047  }
0xcc: {  	s0 =	stileid.u32;
	[bflag:$0x2] =	sbarrier.arrive $0xFFFF  }
0xcd: {  	p0 =	sne.s32 s0, $0x0;
	s0 =	rddreg [dreg:$0x3]  }
0xce: {  	s0 =	sadd.s32 @!p0 $0x100000, s0  }
0xcf: {  	[sflag:s0] =	ssyncadd.tile.s32 @!p0 $0x1;
	_ =	shalt  }
.Lfunc_end2:
_tile_overlayer_lowered:
.L_overlay_start_2:
0xd0: {  	(tag) =	ssettag $0x2  }
0xd1: {  	s0 =	rddreg [dreg:$0x0];
	s2 =	stileid.u32  }
0xd2: {  	s1 =	rddreg [dreg:$0x1];
	p0 =	sne.s32 s2, $0x0  }
0xd3: {  	s3 =	rddreg [dreg:$0x2];
	[bflag:$0x3] =	sbarrier.arrive $0xFFFF;
	s2 =	simm.s32 @!p0 $0x1C03  }
0xd4: {  	[timem:s3], [sflag:s2] =	dma.local @!p0 [hbm:s0], s1  }
0xd5: {  	s0 =	simm.s32 @!p0 $0x3  }
0xd6: {  	_ =	swait.ge @!p0 [sflag:s0], s1  }
0xd7: {  	s1 =	ssub.s32 @!p0 $0x0, s1;
	[sflag:s0] =	ssyncset.done @!p0 $0x0  }
0xd8: {  	[sflag:s0] =	ssyncadd.s32 @!p0 s1  }
0xd9: {  	[bflag:$0x3] =	sbarrier.arrive $0xFFFF  }
0xda: {  	_ =	shalt  }

</sc_bundles>
